<compile_context>
chip_gen: v7x
topology: tpu7x:2x2x1
jax: 0.10.2.dev20260603
libtpu: 0.0.44.dev20260713+nightly
codegen_flags: <defaults>
</compile_context>

<pallas_src>
import functools

import jax
import jax.numpy as jnp
from jax import lax
from jax.experimental import pallas as pl
from jax.experimental.pallas import tpu as pltpu
from jax.experimental.pallas import tpu_sc as plsc

N = 100000
E = 1600000
C = 32
NC = 2
NS = 16
NT = NC * NS
NPT = 3136
NPAD = NT * NPT
K = 2000
G = 64
OB = 112
MEID = K + 96

_mesh = plsc.VectorSubcoreMesh(
    core_axis_name="c", subcore_axis_name="s", num_cores=NC, num_subcores=NS)


@functools.partial(
    pl.kernel,
    out_type=jax.ShapeDtypeStruct((NPAD, C), jnp.float32),
    mesh=_mesh,
    compiler_params=pltpu.CompilerParams(needs_layout_passes=False,
                                         use_tc_tiling_on_sc=False),
    scratch_types=[
        pltpu.VMEM((NPT * C,), jnp.float32),
        pltpu.VMEM((NPT + 16,), jnp.float32),
        pltpu.VMEM((K,), jnp.int32),
        pltpu.VMEM((K,), jnp.int32),
        pltpu.VMEM((K,), jnp.float32),
        pltpu.VMEM((MEID,), jnp.int32),
        pltpu.VMEM((MEID,), jnp.int32),
        pltpu.VMEM((MEID,), jnp.float32),
        pltpu.VMEM((G,), jnp.int32),
        pltpu.VMEM((G,), jnp.int32),
        pltpu.VMEM((G + 16,), jnp.float32),
        pltpu.VMEM((G + 16,), jnp.int32),
        pltpu.VMEM((G, C), jnp.float32),
        pltpu.VMEM((G, C), jnp.float32),
        pltpu.VMEM((OB * C,), jnp.float32),
        pltpu.VMEM((OB, C), jnp.float32),
        pltpu.VMEM((OB,), jnp.int32),
        pltpu.VMEM((64,), jnp.int32),
        pltpu.SemaphoreType.DMA,
        pltpu.SemaphoreType.DMA,
        pltpu.SemaphoreType.DMA,
    ],
)
def _eikonal_sc(ytr, srca, dsta, wa, maskp, zerosf, out,
                acc, deg, src_buf, dst_buf, w_buf, msrc, mdst, mw,
                sidx, didx, rbuf, slbuf, ysrc, ydst, mbuf, obuf, oidx,
                ptmp, sem1, sem2, sem3):
    cid = lax.axis_index("c")
    sid = lax.axis_index("s")
    wid = cid * NS + sid
    lo = wid * NPT
    hi = lo + NPT

    pltpu.sync_copy(zerosf, acc)
    pltpu.sync_copy(zerosf.at[pl.ds(0, NPT + 16)], deg)
    ptmp[pl.ds(0, 16)] = jnp.zeros((16,), jnp.int32)
    ptmp[pl.ds(32, 16)] = jnp.zeros((16,), jnp.int32)

    def _mz(k, carry):
        msrc[pl.ds(k * 16, 16)] = jnp.zeros((16,), jnp.int32)
        mdst[pl.ds(k * 16, 16)] = jnp.zeros((16,), jnp.int32)
        mw[pl.ds(k * 16, 16)] = jnp.full((16,), 1.0, jnp.float32)
        return carry
    lax.fori_loop(0, MEID // 16, _mz, 0)

    def _do_group(q0, cnt):
        def _prep(v, carry):
            iota = lax.iota(jnp.int32, 16)
            rows = iota + v * 16
            srcv = plsc.load_gather(msrc, [rows + q0])
            dstv = plsc.load_gather(mdst, [rows + q0])
            wv0 = plsc.load_gather(mw, [rows + q0])
            lane_ok = jnp.minimum(jnp.maximum(cnt - rows, 0),
                                  1).astype(jnp.float32)
            wv = wv0 * lane_ok + (1.0 - lane_ok)
            slv = srcv - lo
            slv = jnp.minimum(jnp.maximum(slv, 0), NPT - 1)
            wbits = plsc.bitcast(wv, jnp.int32)
            yb = 0x5F3759DF - lax.shift_right_logical(wbits, 1)
            yv = plsc.bitcast(yb, jnp.float32)
            hw = 0.5 * wv
            yv = yv * (1.5 - hw * yv * yv)
            yv = yv * (1.5 - hw * yv * yv)
            yv = yv * (1.5 - hw * yv * yv)
            sidx[pl.ds(v * 16, 16)] = srcv
            didx[pl.ds(v * 16, 16)] = dstv
            slbuf[pl.ds(v * 16, 16)] = slv
            rbuf[pl.ds(v * 16, 16)] = wv * yv
            plsc.addupdate_scatter(deg, [slv], wv * lane_ok)
            return carry
        lax.fori_loop(0, G // 16, _prep, 0)

        d1 = pltpu.async_copy(ytr.at[sidx], ysrc, sem1)
        d2 = pltpu.async_copy(ytr.at[didx], ydst, sem2)
        d1.wait()
        d2.wait()

        def _rmw(e, carry):
            iota = lax.iota(jnp.int32, 16)
            ef = jnp.full((16,), e, jnp.int32)
            sl = slbuf[pl.ds(e, 16)][0]
            rr = rbuf[pl.ds(e, 16)][0]
            ys0 = plsc.load_gather(ysrc, [ef, iota])
            ys1 = plsc.load_gather(ysrc, [ef, iota + 16])
            yd0 = plsc.load_gather(ydst, [ef, iota])
            yd1 = plsc.load_gather(ydst, [ef, iota + 16])
            v0 = rr * jnp.maximum(ys0 - yd0, 0.0)
            v1 = rr * jnp.maximum(ys1 - yd1, 0.0)
            o = sl * C
            a0 = acc[pl.ds(o, 16)]
            acc[pl.ds(o, 16)] = jnp.maximum(a0, v0)
            a1 = acc[pl.ds(o + 16, 16)]
            acc[pl.ds(o + 16, 16)] = jnp.maximum(a1, v1)
            return carry
        lax.fori_loop(0, cnt, _rmw, 0)

    def _chunk(i, cursor):
        off = i * K
        c1 = pltpu.async_copy(srca.at[pl.ds(off, K)], src_buf, sem1)
        c2 = pltpu.async_copy(dsta.at[pl.ds(off, K)], dst_buf, sem2)
        c3 = pltpu.async_copy(wa.at[pl.ds(off, K)], w_buf, sem3)
        c1.wait()
        c2.wait()
        c3.wait()

        def _scan(v, carry):
            sv = src_buf[pl.ds(v * 16, 16)]
            mi = jnp.minimum(jnp.maximum(jnp.minimum(sv - (lo - 1), hi - sv),
                                         0), 1)
            cs = mi
            for d in (1, 2, 4, 8):
                ptmp[pl.ds(16, 16)] = cs
                cs = cs + ptmp[pl.ds(16 - d, 16)]
            curv = ptmp[pl.ds(32, 16)]
            pos = (curv - 1) + cs
            posc = jnp.minimum(jnp.maximum(pos, 0), MEID - 2)
            posf = (MEID - 1) + mi * (posc - (MEID - 1))
            plsc.store_scatter(msrc, [posf], sv)
            plsc.store_scatter(mdst, [posf], dst_buf[pl.ds(v * 16, 16)])
            plsc.store_scatter(mw, [posf], w_buf[pl.ds(v * 16, 16)])
            ptmp[pl.ds(32, 16)] = curv + cs[15]
            return carry
        lax.fori_loop(0, K // 16, _scan, 0)
        cursor = ptmp[pl.ds(32, 16)][0]

        nfull = cursor // G

        def _grp(j, carry):
            _do_group(j * G, G)
            return carry
        lax.fori_loop(0, nfull, _grp, 0)

        rem = cursor - nfull * G
        base = nfull * G

        def _mv(k2, carry):
            msrc[pl.ds(k2 * 16, 16)] = msrc[pl.ds(base + k2 * 16, 16)]
            mdst[pl.ds(k2 * 16, 16)] = mdst[pl.ds(base + k2 * 16, 16)]
            mw[pl.ds(k2 * 16, 16)] = mw[pl.ds(base + k2 * 16, 16)]
            return carry
        lax.fori_loop(0, (rem + 15) // 16, _mv, 0)
        ptmp[pl.ds(32, 16)] = jnp.full((16,), 1, jnp.int32) * rem
        return rem
    cursor = lax.fori_loop(0, E // K, _chunk, 0)
    _do_group(0, cursor)

    def _inv(v, carry):
        d = deg[pl.ds(v * 16, 16)]
        deg[pl.ds(v * 16, 16)] = 1.0 / jnp.maximum(d, 1e-20)
        return carry
    lax.fori_loop(0, NPT // 16, _inv, 0)

    def _st3(ob, carry):
        nb = ob * OB
        pltpu.sync_copy(maskp.at[pl.ds((lo + nb) * C, OB * C)], mbuf)

        def _oi(v, c2):
            iota = lax.iota(jnp.int32, 16)
            oidx[pl.ds(v * 16, 16)] = iota + (lo + nb + v * 16)
            return c2
        lax.fori_loop(0, OB // 16, _oi, 0)

        def _nd(n, c2):
            idv = deg[pl.ds(nb + n, 16)][0]
            a0 = acc[pl.ds((nb + n) * C, 16)]
            mk0 = mbuf[pl.ds(n * C, 16)]
            a1 = acc[pl.ds((nb + n) * C + 16, 16)]
            mk1 = mbuf[pl.ds(n * C + 16, 16)]
            obuf[n, pl.ds(0, 16)] = (1.0 - a0 * idv) * mk0
            obuf[n, pl.ds(16, 16)] = (1.0 - a1 * idv) * mk1
            return c2
        lax.fori_loop(0, OB, _nd, 0)
        pltpu.sync_copy(obuf, out.at[oidx])
        return carry
    lax.fori_loop(0, NPT // OB, _st3, 0)


def kernel(t, y, edge_index, edge_attr, mask):
    del t
    src = edge_index[0]
    dst = edge_index[1]
    w = edge_attr
    ytr = y.T
    maskp = jnp.pad(mask.T, ((0, NPAD - N), (0, 0))).reshape(-1)
    zerosf = jnp.zeros((NPT * C,), jnp.float32)
    outp = _eikonal_sc(ytr, src, dst, w, maskp, zerosf)
    return outp[:N].T

# --- scband reference (transcript-rebuilt; emitter-appended) ---
"""Pipeline reference for scband-eikonal-10943576670376 (READ-ONLY COPY).

The authoritative reference and input builder live on the scoring server;
editing this copy changes nothing except your own understanding.
"""

import jax, jax.numpy as jnp
import numpy as np

N = 100000
E = 1600000
C = 32
ALPHA = 1.0


def setup_inputs(seed: int = 0) -> dict:
    key = jax.random.key(seed)
    k1, k2, k3, k4 = jax.random.split(key, 4)
    t = jnp.zeros((1,), dtype=jnp.float32)
    y = jax.random.normal(k1, (C, N), dtype=jnp.float32)
    edge_index = jax.random.randint(k2, (2, E), 0, N, dtype=jnp.int32)
    edge_attr = jax.random.uniform(k3, (E,), dtype=jnp.float32, minval=1e-3, maxval=1.0)
    mask = jax.random.uniform(k4, (C, N), dtype=jnp.float32)
    return {"t": t, "y": y, "edge_index": edge_index, "edge_attr": edge_attr, "mask": mask}


def reference(t, y, edge_index, edge_attr, mask):
    src = edge_index[0]
    dst = edge_index[1]
    # deg = scatter-add of edge_attr over source nodes  -> [N]
    deg = jax.ops.segment_sum(edge_attr, src, num_segments=N)
    # gather deg at src, raise to alpha  -> [E]
    deg_g = jnp.power(deg[src], ALPHA)
    # gradient along each edge, clipped at 0 (upwind scheme)  -> [C, E]
    diff = y[:, dst] / deg_g[None, :] - y[:, src] / deg_g[None, :]
    grad_m = jnp.sqrt(edge_attr)[None, :] * (-1.0) * jnp.minimum(diff, 0.0)
    # scatter-max of |grad_m| over source nodes  -> [C, N]
    gm = jax.ops.segment_max(jnp.abs(grad_m).T, src, num_segments=N).T
    # empty segments give -inf in jax; torch_scatter fills 0. Values are >=0 so clamping matches.
    grad_norm = jnp.maximum(gm, 0.0)
    f = 1.0 - grad_norm
    return f * mask

if __name__ == "__main__":
    import jax
    _d = setup_inputs()
    print(jax.jit(kernel)(*tuple(_d.values())))

</pallas_src>

<mosaic_0001>
#map = affine_map<(d0, d1) -> (0, 0)>
#map1 = affine_map<(d0, d1) -> (0)>
module attributes {stable_mosaic.version = 14 : i64} {
  func.func @_eikonal_sc(%arg0: i32, %arg1: i32, %arg2: memref<100000x32xf32, #tpu.memory_space<hbm>>, %arg3: memref<1600000xi32, #tpu.memory_space<hbm>>, %arg4: memref<1600000xi32, #tpu.memory_space<hbm>>, %arg5: memref<1600000xf32, #tpu.memory_space<hbm>>, %arg6: memref<3211264xf32, #tpu.memory_space<hbm>>, %arg7: memref<100352xf32, #tpu.memory_space<hbm>>, %arg8: memref<100352x32xf32, #tpu.memory_space<hbm>>, %arg9: memref<100352xf32, #tpu.memory_space<vmem>>, %arg10: memref<3152xf32, #tpu.memory_space<vmem>>, %arg11: memref<2000xi32, #tpu.memory_space<vmem>>, %arg12: memref<2000xi32, #tpu.memory_space<vmem>>, %arg13: memref<2000xf32, #tpu.memory_space<vmem>>, %arg14: memref<2096xi32, #tpu.memory_space<vmem>>, %arg15: memref<2096xi32, #tpu.memory_space<vmem>>, %arg16: memref<2096xf32, #tpu.memory_space<vmem>>, %arg17: memref<64xi32, #tpu.memory_space<vmem>>, %arg18: memref<64xi32, #tpu.memory_space<vmem>>, %arg19: memref<80xf32, #tpu.memory_space<vmem>>, %arg20: memref<80xi32, #tpu.memory_space<vmem>>, %arg21: memref<64x32xf32, #tpu.memory_space<vmem>>, %arg22: memref<64x32xf32, #tpu.memory_space<vmem>>, %arg23: memref<3584xf32, #tpu.memory_space<vmem>>, %arg24: memref<112x32xf32, #tpu.memory_space<vmem>>, %arg25: memref<112xi32, #tpu.memory_space<vmem>>, %arg26: memref<64xi32, #tpu.memory_space<vmem>>, %arg27: memref<!tpu.dma_semaphore, #tpu.memory_space<semaphore_mem>>, %arg28: memref<!tpu.dma_semaphore, #tpu.memory_space<semaphore_mem>>, %arg29: memref<!tpu.dma_semaphore, #tpu.memory_space<semaphore_mem>>) attributes {dimension_semantics = [#tpu.dimension_semantics<core_parallel>, #tpu.dimension_semantics<subcore_parallel>], iteration_bounds = array<i64: 2, 16>, scalar_prefetch = 0 : i64, scratch_operands = 21 : i64, tpu.core_type = #tpu.core_type<sc_vector_subcore>, window_params = [{transform_indices = #map}, {transform_indices = #map1}, {transform_indices = #map1}, {transform_indices = #map1}, {transform_indices = #map1}, {transform_indices = #map1}, {transform_indices = #map}]} {
    %mul3A = arith.constant 16 : i32
    %mul3A_0 = arith.muli %arg0, %mul3A : i32
    %add3A = arith.addi %mul3A_0, %arg1 : i32
    %mul3A_1 = arith.constant 3136 : i32
    %mul3A_2 = arith.muli %add3A, %mul3A_1 : i32
    %add3A_3 = arith.constant 3136 : i32
    %add3A_4 = arith.addi %mul3A_2, %add3A_3 : i32
    "tpu.region"() ({
      %run_scoped3A = tpu.sem_alloc : memref<!tpu.dma_semaphore, #tpu.memory_space<semaphore_mem>>
      tpu.enqueue_dma source(%arg7 : memref<100352xf32, #tpu.memory_space<hbm>>) target(%arg9 : memref<100352xf32, #tpu.memory_space<vmem>>) target_semaphore(%run_scoped3A : memref<!tpu.dma_semaphore, #tpu.memory_space<semaphore_mem>>)
      tpu.wait_dma2 semaphore(%run_scoped3A : memref<!tpu.dma_semaphore, #tpu.memory_space<semaphore_mem>>) src(%arg7 : memref<100352xf32, #tpu.memory_space<hbm>>) dst(%arg9 : memref<100352xf32, #tpu.memory_space<vmem>>)
      tpu.yield
    }) : () -> ()
    "tpu.region"() ({
      %run_scoped3A = tpu.sem_alloc : memref<!tpu.dma_semaphore, #tpu.memory_space<semaphore_mem>>
      %dma_start3A_60 = arith.constant 0 : i32
      %dma_start3A_61 = tpu.memref_slice %arg7[%dma_start3A_60] : memref<100352xf32, #tpu.memory_space<hbm>> -> memref<3152xf32, #tpu.memory_space<hbm>>
      %dma_start3A_62 = arith.constant 0 : i32
      %dma_start3A_63 = tpu.memref_slice %arg7[%dma_start3A_62] : memref<100352xf32, #tpu.memory_space<hbm>> -> memref<3152xf32, #tpu.memory_space<hbm>>
      tpu.enqueue_dma source(%dma_start3A_63 : memref<3152xf32, #tpu.memory_space<hbm>>) target(%arg10 : memref<3152xf32, #tpu.memory_space<vmem>>) target_semaphore(%run_scoped3A : memref<!tpu.dma_semaphore, #tpu.memory_space<semaphore_mem>>)
      %dma_wait3A_64 = arith.constant 0 : i32
      %dma_wait3A_65 = tpu.memref_slice %arg7[%dma_wait3A_64] : memref<100352xf32, #tpu.memory_space<hbm>> -> memref<3152xf32, #tpu.memory_space<hbm>>
      %dma_wait3A_66 = arith.constant 0 : i32
      %dma_wait3A_67 = tpu.memref_slice %arg7[%dma_wait3A_66] : memref<100352xf32, #tpu.memory_space<hbm>> -> memref<3152xf32, #tpu.memory_space<hbm>>
      tpu.wait_dma2 semaphore(%run_scoped3A : memref<!tpu.dma_semaphore, #tpu.memory_space<semaphore_mem>>) src(%dma_wait3A_67 : memref<3152xf32, #tpu.memory_space<hbm>>) dst(%arg10 : memref<3152xf32, #tpu.memory_space<vmem>>)
      tpu.yield
    }) : () -> ()
    %broadcast_in_dim3A = arith.constant 0 : i32
    %broadcast_in_dim3A_5 = vector.broadcast %broadcast_in_dim3A : i32 to vector<16xi32>
    %swap3A = arith.constant 0 : index
    %swap3A_6 = tpu.vector_load %arg26[%swap3A] {strides = array<i32>} : memref<64xi32, #tpu.memory_space<vmem>>, vector<16xi32>,
    tpu.vector_store %arg26[%swap3A], %broadcast_in_dim3A_5 {strides = array<i32>} : memref<64xi32, #tpu.memory_space<vmem>>, vector<16xi32>,
    %broadcast_in_dim3A_7 = arith.constant 0 : i32
    %broadcast_in_dim3A_8 = vector.broadcast %broadcast_in_dim3A_7 : i32 to vector<16xi32>
    %swap3A_9 = arith.constant 32 : index
    %swap3A_10 = tpu.vector_load %arg26[%swap3A_9] {strides = array<i32>} : memref<64xi32, #tpu.memory_space<vmem>>, vector<16xi32>,
    tpu.vector_store %arg26[%swap3A_9], %broadcast_in_dim3A_8 {strides = array<i32>} : memref<64xi32, #tpu.memory_space<vmem>>, vector<16xi32>,
    %scan3A = arith.constant 0 : i32
    %scan3A_11 = arith.constant 0 : i32
    %scan3A_12 = arith.constant 131 : i32
    %scan3A_13 = arith.addi %scan3A_11, %scan3A_12 : i32
    %scan3A_14 = arith.constant 1 : i32
    scf.for %scan3A_60 = %scan3A_11 to %scan3A_13 step %scan3A_14  : i32 {
      %broadcast_in_dim3A_61 = arith.constant 0 : i32
      %broadcast_in_dim3A_62 = vector.broadcast %broadcast_in_dim3A_61 : i32 to vector<16xi32>
      %mul3A_63 = arith.constant 16 : i32
      %mul3A_64 = arith.muli %scan3A_60, %mul3A_63 : i32
      %swap3A_65 = arith.index_cast %mul3A_64 : i32 to index
      %swap3A_66 = tpu.vector_load %arg14[%swap3A_65] {strides = array<i32>} : memref<2096xi32, #tpu.memory_space<vmem>>, vector<16xi32>,
      tpu.vector_store %arg14[%swap3A_65], %broadcast_in_dim3A_62 {strides = array<i32>} : memref<2096xi32, #tpu.memory_space<vmem>>, vector<16xi32>,
      %broadcast_in_dim3A_67 = arith.constant 0 : i32
      %broadcast_in_dim3A_68 = vector.broadcast %broadcast_in_dim3A_67 : i32 to vector<16xi32>
      %mul3A_69 = arith.constant 16 : i32
      %mul3A_70 = arith.muli %scan3A_60, %mul3A_69 : i32
      %swap3A_71 = arith.index_cast %mul3A_70 : i32 to index
      %swap3A_72 = tpu.vector_load %arg15[%swap3A_71] {strides = array<i32>} : memref<2096xi32, #tpu.memory_space<vmem>>, vector<16xi32>,
      tpu.vector_store %arg15[%swap3A_71], %broadcast_in_dim3A_68 {strides = array<i32>} : memref<2096xi32, #tpu.memory_space<vmem>>, vector<16xi32>,
      %broadcast_in_dim3A_73 = arith.constant 1.000000e+00 : f32
      %broadcast_in_dim3A_74 = vector.broadcast %broadcast_in_dim3A_73 : f32 to vector<16xf32>
      %mul3A_75 = arith.constant 16 : i32
      %mul3A_76 = arith.muli %scan3A_60, %mul3A_75 : i32
      %swap3A_77 = arith.index_cast %mul3A_76 : i32 to index
      %swap3A_78 = tpu.vector_load %arg16[%swap3A_77] {strides = array<i32>} : memref<2096xf32, #tpu.memory_space<vmem>>, vector<16xf32>,
      tpu.vector_store %arg16[%swap3A_77], %broadcast_in_dim3A_74 {strides = array<i32>} : memref<2096xf32, #tpu.memory_space<vmem>>, vector<16xf32>,
    }
    %scan3A_15 = arith.constant 131 : i32
    %scan3A_16 = arith.constant 0 : i32
    %scan3A_17 = arith.constant 0 : i32
    %scan3A_18 = arith.constant 800 : i32
    %scan3A_19 = arith.addi %scan3A_17, %scan3A_18 : i32
    %scan3A_20 = arith.constant 1 : i32
    %scan3A_21 = scf.for %scan3A_60 = %scan3A_17 to %scan3A_19 step %scan3A_20 iter_args(%scan3A_61 = %scan3A_16) -> (i32)  : i32 {
      %mul3A_62 = arith.constant 2000 : i32
      %mul3A_63 = arith.muli %scan3A_60, %mul3A_62 : i32
      %dma_start3A_64 = tpu.memref_slice %arg3[%mul3A_63] : memref<1600000xi32, #tpu.memory_space<hbm>> -> memref<2000xi32, #tpu.memory_space<hbm>>
      %dma_start3A_65 = tpu.memref_slice %arg3[%mul3A_63] : memref<1600000xi32, #tpu.memory_space<hbm>> -> memref<2000xi32, #tpu.memory_space<hbm>>
      tpu.enqueue_dma source(%dma_start3A_65 : memref<2000xi32, #tpu.memory_space<hbm>>) target(%arg11 : memref<2000xi32, #tpu.memory_space<vmem>>) target_semaphore(%arg27 : memref<!tpu.dma_semaphore, #tpu.memory_space<semaphore_mem>>)
      %dma_start3A_66 = tpu.memref_slice %arg4[%mul3A_63] : memref<1600000xi32, #tpu.memory_space<hbm>> -> memref<2000xi32, #tpu.memory_space<hbm>>
      %dma_start3A_67 = tpu.memref_slice %arg4[%mul3A_63] : memref<1600000xi32, #tpu.memory_space<hbm>> -> memref<2000xi32, #tpu.memory_space<hbm>>
      tpu.enqueue_dma source(%dma_start3A_67 : memref<2000xi32, #tpu.memory_space<hbm>>) target(%arg12 : memref<2000xi32, #tpu.memory_space<vmem>>) target_semaphore(%arg28 : memref<!tpu.dma_semaphore, #tpu.memory_space<semaphore_mem>>)
      %dma_start3A_68 = tpu.memref_slice %arg5[%mul3A_63] : memref<1600000xf32, #tpu.memory_space<hbm>> -> memref<2000xf32, #tpu.memory_space<hbm>>
      %dma_start3A_69 = tpu.memref_slice %arg5[%mul3A_63] : memref<1600000xf32, #tpu.memory_space<hbm>> -> memref<2000xf32, #tpu.memory_space<hbm>>
      tpu.enqueue_dma source(%dma_start3A_69 : memref<2000xf32, #tpu.memory_space<hbm>>) target(%arg13 : memref<2000xf32, #tpu.memory_space<vmem>>) target_semaphore(%arg29 : memref<!tpu.dma_semaphore, #tpu.memory_space<semaphore_mem>>)
      %dma_wait3A_70 = tpu.memref_slice %arg3[%mul3A_63] : memref<1600000xi32, #tpu.memory_space<hbm>> -> memref<2000xi32, #tpu.memory_space<hbm>>
      %dma_wait3A_71 = tpu.memref_slice %arg3[%mul3A_63] : memref<1600000xi32, #tpu.memory_space<hbm>> -> memref<2000xi32, #tpu.memory_space<hbm>>
      tpu.wait_dma2 semaphore(%arg27 : memref<!tpu.dma_semaphore, #tpu.memory_space<semaphore_mem>>) src(%dma_wait3A_71 : memref<2000xi32, #tpu.memory_space<hbm>>) dst(%arg11 : memref<2000xi32, #tpu.memory_space<vmem>>)
      %dma_wait3A_72 = tpu.memref_slice %arg4[%mul3A_63] : memref<1600000xi32, #tpu.memory_space<hbm>> -> memref<2000xi32, #tpu.memory_space<hbm>>
      %dma_wait3A_73 = tpu.memref_slice %arg4[%mul3A_63] : memref<1600000xi32, #tpu.memory_space<hbm>> -> memref<2000xi32, #tpu.memory_space<hbm>>
      tpu.wait_dma2 semaphore(%arg28 : memref<!tpu.dma_semaphore, #tpu.memory_space<semaphore_mem>>) src(%dma_wait3A_73 : memref<2000xi32, #tpu.memory_space<hbm>>) dst(%arg12 : memref<2000xi32, #tpu.memory_space<vmem>>)
      %dma_wait3A_74 = tpu.memref_slice %arg5[%mul3A_63] : memref<1600000xf32, #tpu.memory_space<hbm>> -> memref<2000xf32, #tpu.memory_space<hbm>>
      %dma_wait3A_75 = tpu.memref_slice %arg5[%mul3A_63] : memref<1600000xf32, #tpu.memory_space<hbm>> -> memref<2000xf32, #tpu.memory_space<hbm>>
      tpu.wait_dma2 semaphore(%arg29 : memref<!tpu.dma_semaphore, #tpu.memory_space<semaphore_mem>>) src(%dma_wait3A_75 : memref<2000xf32, #tpu.memory_space<hbm>>) dst(%arg13 : memref<2000xf32, #tpu.memory_space<vmem>>)
      %scan3A_76 = arith.constant 0 : i32
      %scan3A_77 = arith.constant 0 : i32
      %scan3A_78 = arith.constant 125 : i32
      %scan3A_79 = arith.addi %scan3A_77, %scan3A_78 : i32
      %scan3A_80 = arith.constant 1 : i32
      scf.for %scan3A_156 = %scan3A_77 to %scan3A_79 step %scan3A_80  : i32 {
        %mul3A_157 = arith.constant 16 : i32
        %mul3A_158 = arith.muli %scan3A_156, %mul3A_157 : i32
        %get3A_159 = arith.index_cast %mul3A_158 : i32 to index
        %get3A_160 = tpu.vector_load %arg11[%get3A_159] {strides = array<i32>} : memref<2000xi32, #tpu.memory_space<vmem>>, vector<16xi32>,
        %sub3A_161 = arith.constant 1 : i32
        %sub3A_162 = arith.subi %mul3A_2, %sub3A_161 : i32
        %sub3A_163 = vector.broadcast %sub3A_162 : i32 to vector<16xi32>
        %sub3A_164 = arith.subi %get3A_160, %sub3A_163 : vector<16xi32>
        %sub3A_165 = vector.broadcast %add3A_4 : i32 to vector<16xi32>
        %sub3A_166 = arith.subi %sub3A_165, %get3A_160 : vector<16xi32>
        %min3A = arith.minsi %sub3A_164, %sub3A_166 : vector<16xi32>
        %max3A = arith.constant 0 : i32
        %max3A_167 = vector.broadcast %max3A : i32 to vector<16xi32>
        %max3A_168 = arith.maxsi %min3A, %max3A_167 : vector<16xi32>
        %min3A_169 = arith.constant 1 : i32
        %min3A_170 = vector.broadcast %min3A_169 : i32 to vector<16xi32>
        %min3A_171 = arith.minsi %max3A_168, %min3A_170 : vector<16xi32>
        %swap3A_172 = arith.constant 16 : index
        %swap3A_173 = tpu.vector_load %arg26[%swap3A_172] {strides = array<i32>} : memref<64xi32, #tpu.memory_space<vmem>>, vector<16xi32>,
        tpu.vector_store %arg26[%swap3A_172], %min3A_171 {strides = array<i32>} : memref<64xi32, #tpu.memory_space<vmem>>, vector<16xi32>,
        %get3A_174 = arith.constant 15 : index
        %get3A_175 = tpu.vector_load %arg26[%get3A_174] {strides = array<i32>} : memref<64xi32, #tpu.memory_space<vmem>>, vector<16xi32>,
        %add3A_176 = arith.addi %min3A_171, %get3A_175 : vector<16xi32>
        %swap3A_177 = arith.constant 16 : index
        %swap3A_178 = tpu.vector_load %arg26[%swap3A_177] {strides = array<i32>} : memref<64xi32, #tpu.memory_space<vmem>>, vector<16xi32>,
        tpu.vector_store %arg26[%swap3A_177], %add3A_176 {strides = array<i32>} : memref<64xi32, #tpu.memory_space<vmem>>, vector<16xi32>,
        %get3A_179 = arith.constant 14 : index
        %get3A_180 = tpu.vector_load %arg26[%get3A_179] {strides = array<i32>} : memref<64xi32, #tpu.memory_space<vmem>>, vector<16xi32>,
        %add3A_181 = arith.addi %add3A_176, %get3A_180 : vector<16xi32>
        %swap3A_182 = arith.constant 16 : index
        %swap3A_183 = tpu.vector_load %arg26[%swap3A_182] {strides = array<i32>} : memref<64xi32, #tpu.memory_space<vmem>>, vector<16xi32>,
        tpu.vector_store %arg26[%swap3A_182], %add3A_181 {strides = array<i32>} : memref<64xi32, #tpu.memory_space<vmem>>, vector<16xi32>,
        %get3A_184 = arith.constant 12 : index
        %get3A_185 = tpu.vector_load %arg26[%get3A_184] {strides = array<i32>} : memref<64xi32, #tpu.memory_space<vmem>>, vector<16xi32>,
        %add3A_186 = arith.addi %add3A_181, %get3A_185 : vector<16xi32>
        %swap3A_187 = arith.constant 16 : index
        %swap3A_188 = tpu.vector_load %arg26[%swap3A_187] {strides = array<i32>} : memref<64xi32, #tpu.memory_space<vmem>>, vector<16xi32>,
        tpu.vector_store %arg26[%swap3A_187], %add3A_186 {strides = array<i32>} : memref<64xi32, #tpu.memory_space<vmem>>, vector<16xi32>,
        %get3A_189 = arith.constant 8 : index
        %get3A_190 = tpu.vector_load %arg26[%get3A_189] {strides = array<i32>} : memref<64xi32, #tpu.memory_space<vmem>>, vector<16xi32>,
        %add3A_191 = arith.addi %add3A_186, %get3A_190 : vector<16xi32>
        %get3A_192 = arith.constant 32 : index
        %get3A_193 = tpu.vector_load %arg26[%get3A_192] {strides = array<i32>} : memref<64xi32, #tpu.memory_space<vmem>>, vector<16xi32>,
        %sub3A_194 = arith.constant 1 : i32
        %sub3A_195 = vector.broadcast %sub3A_194 : i32 to vector<16xi32>
        %sub3A_196 = arith.subi %get3A_193, %sub3A_195 : vector<16xi32>
        %add3A_197 = arith.addi %sub3A_196, %add3A_191 : vector<16xi32>
        %max3A_198 = arith.constant 0 : i32
        %max3A_199 = vector.broadcast %max3A_198 : i32 to vector<16xi32>
        %max3A_200 = arith.maxsi %add3A_197, %max3A_199 : vector<16xi32>
        %min3A_201 = arith.constant 2094 : i32
        %min3A_202 = vector.broadcast %min3A_201 : i32 to vector<16xi32>
        %min3A_203 = arith.minsi %max3A_200, %min3A_202 : vector<16xi32>
        %sub3A_204 = arith.constant 2095 : i32
        %sub3A_205 = vector.broadcast %sub3A_204 : i32 to vector<16xi32>
        %sub3A_206 = arith.subi %min3A_203, %sub3A_205 : vector<16xi32>
        %mul3A_207 = arith.muli %min3A_171, %sub3A_206 : vector<16xi32>
        %add3A_208 = arith.constant 2095 : i32
        %add3A_209 = vector.broadcast %add3A_208 : i32 to vector<16xi32>
        %add3A_210 = arith.addi %add3A_209, %mul3A_207 : vector<16xi32>
        tpu.vector_store_idx %arg14[%add3A_210], %get3A_160 : memref<2096xi32, #tpu.memory_space<vmem>>[vector<16xi32>], vector<16xi32>,
        %mul3A_211 = arith.constant 16 : i32
        %mul3A_212 = arith.muli %scan3A_156, %mul3A_211 : i32
        %get3A_213 = arith.index_cast %mul3A_212 : i32 to index
        %get3A_214 = tpu.vector_load %arg12[%get3A_213] {strides = array<i32>} : memref<2000xi32, #tpu.memory_space<vmem>>, vector<16xi32>,
        tpu.vector_store_idx %arg15[%add3A_210], %get3A_214 : memref<2096xi32, #tpu.memory_space<vmem>>[vector<16xi32>], vector<16xi32>,
        %mul3A_215 = arith.constant 16 : i32
        %mul3A_216 = arith.muli %scan3A_156, %mul3A_215 : i32
        %get3A_217 = arith.index_cast %mul3A_216 : i32 to index
        %get3A_218 = tpu.vector_load %arg13[%get3A_217] {strides = array<i32>} : memref<2000xf32, #tpu.memory_space<vmem>>, vector<16xf32>,
        tpu.vector_store_idx %arg16[%add3A_210], %get3A_218 : memref<2096xf32, #tpu.memory_space<vmem>>[vector<16xi32>], vector<16xf32>,
        %slice3A_219 = vector.extract_strided_slice %add3A_191 {offsets = [15], sizes = [1], strides = [1]} : vector<16xi32> to vector<1xi32>
        %squeeze3A_220 = vector.extract %slice3A_219[0] : i32 from vector<1xi32>
        %add3A_221 = vector.broadcast %squeeze3A_220 : i32 to vector<16xi32>
        %add3A_222 = arith.addi %get3A_193, %add3A_221 : vector<16xi32>
        %swap3A_223 = arith.constant 32 : index
        %swap3A_224 = tpu.vector_load %arg26[%swap3A_223] {strides = array<i32>} : memref<64xi32, #tpu.memory_space<vmem>>, vector<16xi32>,
        tpu.vector_store %arg26[%swap3A_223], %add3A_222 {strides = array<i32>} : memref<64xi32, #tpu.memory_space<vmem>>, vector<16xi32>,
      }
      %scan3A_81 = arith.constant 125 : i32
      %get3A = arith.constant 32 : index
      %get3A_82 = tpu.vector_load %arg26[%get3A] {strides = array<i32>} : memref<64xi32, #tpu.memory_space<vmem>>, vector<16xi32>,
      %slice3A = vector.extract_strided_slice %get3A_82 {offsets = [0], sizes = [1], strides = [1]} : vector<16xi32> to vector<1xi32>
      %squeeze3A = vector.extract %slice3A[0] : i32 from vector<1xi32>
      %jit3A = arith.constant 64 : i32
      %div3A = arith.divsi %squeeze3A, %jit3A : i32
      %sign3A = arith.constant 0 : i32
      %sign3A_83 = arith.cmpi sgt, %squeeze3A, %sign3A : i32
      %sign3A_84 = arith.extui %sign3A_83 : i1 to i32
      %sign3A_85 = arith.constant 0 : i32
      %sign3A_86 = arith.cmpi slt, %squeeze3A, %sign3A_85 : i32
      %sign3A_87 = arith.extui %sign3A_86 : i1 to i32
      %sign3A_88 = arith.subi %sign3A_84, %sign3A_87 : i32
      %sign3A_89 = arith.constant 0 : i32
      %sign3A_90 = arith.cmpi sgt, %jit3A, %sign3A_89 : i32
      %sign3A_91 = arith.extui %sign3A_90 : i1 to i32
      %sign3A_92 = arith.constant 0 : i32
      %sign3A_93 = arith.cmpi slt, %jit3A, %sign3A_92 : i32
      %sign3A_94 = arith.extui %sign3A_93 : i1 to i32
      %sign3A_95 = arith.subi %sign3A_91, %sign3A_94 : i32
      %ne3A = arith.cmpi ne, %sign3A_88, %sign3A_95 : i32
      %rem3A = arith.remsi %squeeze3A, %jit3A : i32
      %ne3A_96 = arith.constant 0 : i32
      %ne3A_97 = arith.cmpi ne, %rem3A, %ne3A_96 : i32
      %and3A = arith.andi %ne3A, %ne3A_97 : i1
      %sub3A = arith.constant 1 : i32
      %sub3A_98 = arith.subi %div3A, %sub3A : i32
      %select_n3A = arith.select %and3A, %sub3A_98, %div3A : i32
      %while3A_99 = arith.constant 0 : i32
      %while3A_100 = arith.constant 0 : i32
      %while3A_101 = arith.subi %select_n3A, %while3A_100 : i32
      %while3A_102 = arith.addi %while3A_100, %while3A_101 : i32
      %while3A_103 = arith.constant 1 : i32
      %while3A_104 = arith.divsi %while3A_101, %while3A_103 : i32
      %while3A_105 = arith.muli %while3A_104, %while3A_103 : i32
      %while3A_106 = arith.addi %while3A_100, %while3A_105 : i32
      %while3A_107 = arith.constant 1 : i32
      scf.for %while3A_156 = %while3A_100 to %while3A_106 step %while3A_107  : i32 {
        %mul3A_157 = arith.constant 64 : i32
        %mul3A_158 = arith.muli %while3A_156, %mul3A_157 : i32
        %scan3A_159 = arith.constant 0 : i32
        %scan3A_160 = arith.constant 0 : i32
        %scan3A_161 = arith.constant 4 : i32
        %scan3A_162 = arith.addi %scan3A_160, %scan3A_161 : i32
        %scan3A_163 = arith.constant 1 : i32
        scf.for %scan3A_183 = %scan3A_160 to %scan3A_162 step %scan3A_163  : i32 {
          %iota3A = tpu.iota {dimensions = array<i32: 0>} : vector<16xi32>
          %mul3A_184 = arith.constant 16 : i32
          %mul3A_185 = arith.muli %scan3A_183, %mul3A_184 : i32
          %add3A_186 = vector.broadcast %mul3A_185 : i32 to vector<16xi32>
          %add3A_187 = arith.addi %iota3A, %add3A_186 : vector<16xi32>
          %add3A_188 = vector.broadcast %mul3A_158 : i32 to vector<16xi32>
          %add3A_189 = arith.addi %add3A_187, %add3A_188 : vector<16xi32>
          %gather3A = tpu.vector_load_idx %arg14[%add3A_189] : memref<2096xi32, #tpu.memory_space<vmem>>[vector<16xi32>], vector<16xi32>,
          %add3A_190 = vector.broadcast %mul3A_158 : i32 to vector<16xi32>
          %add3A_191 = arith.addi %add3A_187, %add3A_190 : vector<16xi32>
          %gather3A_192 = tpu.vector_load_idx %arg15[%add3A_191] : memref<2096xi32, #tpu.memory_space<vmem>>[vector<16xi32>], vector<16xi32>,
          %add3A_193 = vector.broadcast %mul3A_158 : i32 to vector<16xi32>
          %add3A_194 = arith.addi %add3A_187, %add3A_193 : vector<16xi32>
          %gather3A_195 = tpu.vector_load_idx %arg16[%add3A_194] : memref<2096xf32, #tpu.memory_space<vmem>>[vector<16xi32>], vector<16xf32>,
          %sub3A_196 = arith.constant 64 : i32
          %sub3A_197 = vector.broadcast %sub3A_196 : i32 to vector<16xi32>
          %sub3A_198 = arith.subi %sub3A_197, %add3A_187 : vector<16xi32>
          %max3A = arith.constant 0 : i32
          %max3A_199 = vector.broadcast %max3A : i32 to vector<16xi32>
          %max3A_200 = arith.maxsi %sub3A_198, %max3A_199 : vector<16xi32>
          %min3A = arith.constant 1 : i32
          %min3A_201 = vector.broadcast %min3A : i32 to vector<16xi32>
          %min3A_202 = arith.minsi %max3A_200, %min3A_201 : vector<16xi32>
          %convert_element_type3A = arith.sitofp %min3A_202 : vector<16xi32> to vector<16xf32>
          %mul3A_203 = arith.mulf %gather3A_195, %convert_element_type3A : vector<16xf32>
          %sub3A_204 = arith.constant 1.000000e+00 : f32
          %sub3A_205 = vector.broadcast %sub3A_204 : f32 to vector<16xf32>
          %sub3A_206 = arith.subf %sub3A_205, %convert_element_type3A : vector<16xf32>
          %add3A_207 = arith.addf %mul3A_203, %sub3A_206 : vector<16xf32>
          %sub3A_208 = vector.broadcast %mul3A_2 : i32 to vector<16xi32>
          %sub3A_209 = arith.subi %gather3A, %sub3A_208 : vector<16xi32>
          %max3A_210 = arith.constant 0 : i32
          %max3A_211 = vector.broadcast %max3A_210 : i32 to vector<16xi32>
          %max3A_212 = arith.maxsi %sub3A_209, %max3A_211 : vector<16xi32>
          %min3A_213 = arith.constant 3135 : i32
          %min3A_214 = vector.broadcast %min3A_213 : i32 to vector<16xi32>
          %min3A_215 = arith.minsi %max3A_212, %min3A_214 : vector<16xi32>
          %bitcast3A = vector.bitcast %add3A_207 : vector<16xf32> to vector<16xi32>
          %shift_right_logical3A = arith.constant 1 : i32
          %shift_right_logical3A_216 = vector.broadcast %shift_right_logical3A : i32 to vector<16xi32>
          %shift_right_logical3A_217 = arith.shrui %bitcast3A, %shift_right_logical3A_216 : vector<16xi32>
          %sub3A_218 = arith.constant 1597463007 : i32
          %sub3A_219 = vector.broadcast %sub3A_218 : i32 to vector<16xi32>
          %sub3A_220 = arith.subi %sub3A_219, %shift_right_logical3A_217 : vector<16xi32>
          %bitcast3A_221 = vector.bitcast %sub3A_220 : vector<16xi32> to vector<16xf32>
          %mul3A_222 = arith.constant 5.000000e-01 : f32
          %mul3A_223 = vector.broadcast %mul3A_222 : f32 to vector<16xf32>
          %mul3A_224 = arith.mulf %mul3A_223, %add3A_207 : vector<16xf32>
          %mul3A_225 = arith.mulf %mul3A_224, %bitcast3A_221 : vector<16xf32>
          %mul3A_226 = arith.mulf %mul3A_225, %bitcast3A_221 : vector<16xf32>
          %sub3A_227 = arith.constant 1.500000e+00 : f32
          %sub3A_228 = vector.broadcast %sub3A_227 : f32 to vector<16xf32>
          %sub3A_229 = arith.subf %sub3A_228, %mul3A_226 : vector<16xf32>
          %mul3A_230 = arith.mulf %bitcast3A_221, %sub3A_229 : vector<16xf32>
          %mul3A_231 = arith.mulf %mul3A_224, %mul3A_230 : vector<16xf32>
          %mul3A_232 = arith.mulf %mul3A_231, %mul3A_230 : vector<16xf32>
          %sub3A_233 = arith.constant 1.500000e+00 : f32
          %sub3A_234 = vector.broadcast %sub3A_233 : f32 to vector<16xf32>
          %sub3A_235 = arith.subf %sub3A_234, %mul3A_232 : vector<16xf32>
          %mul3A_236 = arith.mulf %mul3A_230, %sub3A_235 : vector<16xf32>
          %mul3A_237 = arith.mulf %mul3A_224, %mul3A_236 : vector<16xf32>
          %mul3A_238 = arith.mulf %mul3A_237, %mul3A_236 : vector<16xf32>
          %sub3A_239 = arith.constant 1.500000e+00 : f32
          %sub3A_240 = vector.broadcast %sub3A_239 : f32 to vector<16xf32>
          %sub3A_241 = arith.subf %sub3A_240, %mul3A_238 : vector<16xf32>
          %mul3A_242 = arith.mulf %mul3A_236, %sub3A_241 : vector<16xf32>
          %mul3A_243 = arith.constant 16 : i32
          %mul3A_244 = arith.muli %scan3A_183, %mul3A_243 : i32
          %swap3A_245 = arith.index_cast %mul3A_244 : i32 to index
          %swap3A_246 = tpu.vector_load %arg17[%swap3A_245] {strides = array<i32>} : memref<64xi32, #tpu.memory_space<vmem>>, vector<16xi32>,
          tpu.vector_store %arg17[%swap3A_245], %gather3A {strides = array<i32>} : memref<64xi32, #tpu.memory_space<vmem>>, vector<16xi32>,
          %mul3A_247 = arith.constant 16 : i32
          %mul3A_248 = arith.muli %scan3A_183, %mul3A_247 : i32
          %swap3A_249 = arith.index_cast %mul3A_248 : i32 to index
          %swap3A_250 = tpu.vector_load %arg18[%swap3A_249] {strides = array<i32>} : memref<64xi32, #tpu.memory_space<vmem>>, vector<16xi32>,
          tpu.vector_store %arg18[%swap3A_249], %gather3A_192 {strides = array<i32>} : memref<64xi32, #tpu.memory_space<vmem>>, vector<16xi32>,
          %mul3A_251 = arith.constant 16 : i32
          %mul3A_252 = arith.muli %scan3A_183, %mul3A_251 : i32
          %swap3A_253 = arith.index_cast %mul3A_252 : i32 to index
          %swap3A_254 = tpu.vector_load %arg20[%swap3A_253] {strides = array<i32>} : memref<80xi32, #tpu.memory_space<vmem>>, vector<16xi32>,
          tpu.vector_store %arg20[%swap3A_253], %min3A_215 {strides = array<i32>} : memref<80xi32, #tpu.memory_space<vmem>>, vector<16xi32>,
          %mul3A_255 = arith.mulf %add3A_207, %mul3A_242 : vector<16xf32>
          %mul3A_256 = arith.constant 16 : i32
          %mul3A_257 = arith.muli %scan3A_183, %mul3A_256 : i32
          %swap3A_258 = arith.index_cast %mul3A_257 : i32 to index
          %swap3A_259 = tpu.vector_load %arg19[%swap3A_258] {strides = array<i32>} : memref<80xf32, #tpu.memory_space<vmem>>, vector<16xf32>,
          tpu.vector_store %arg19[%swap3A_258], %mul3A_255 {strides = array<i32>} : memref<80xf32, #tpu.memory_space<vmem>>, vector<16xf32>,
          %mul3A_260 = arith.mulf %add3A_207, %convert_element_type3A : vector<16xf32>
          tpu.vector_store_idx %arg10[%min3A_215], %mul3A_260 {add = true} : memref<3152xf32, #tpu.memory_space<vmem>>[vector<16xi32>], vector<16xf32>,
        }
        %scan3A_164 = arith.constant 4 : i32
        %dma_start3A_165 = arith.constant 0 : i32
        %dma_start3A_166 = arith.constant 0 : i32
        %dma_start3A_167 = tpu.memref_slice %arg2[%dma_start3A_165, %dma_start3A_166] : memref<100000x32xf32, #tpu.memory_space<hbm>> -> memref<100000x32xf32, #tpu.memory_space<hbm>>
        tpu.enqueue_indirect_dma source(%dma_start3A_167 : memref<100000x32xf32, #tpu.memory_space<hbm>>) target(%arg21 : memref<64x32xf32, #tpu.memory_space<vmem>>) offsets(%arg17 : memref<64xi32, #tpu.memory_space<vmem>>) semaphore(%arg27 : memref<!tpu.dma_semaphore, #tpu.memory_space<semaphore_mem>>)
        %dma_start3A_168 = arith.constant 0 : i32
        %dma_start3A_169 = arith.constant 0 : i32
        %dma_start3A_170 = tpu.memref_slice %arg2[%dma_start3A_168, %dma_start3A_169] : memref<100000x32xf32, #tpu.memory_space<hbm>> -> memref<100000x32xf32, #tpu.memory_space<hbm>>
        tpu.enqueue_indirect_dma source(%dma_start3A_170 : memref<100000x32xf32, #tpu.memory_space<hbm>>) target(%arg22 : memref<64x32xf32, #tpu.memory_space<vmem>>) offsets(%arg18 : memref<64xi32, #tpu.memory_space<vmem>>) semaphore(%arg28 : memref<!tpu.dma_semaphore, #tpu.memory_space<semaphore_mem>>)
        %dma_wait3A_171 = arith.constant 0 : i32
        %dma_wait3A_172 = arith.constant 0 : i32
        %dma_wait3A_173 = tpu.memref_slice %arg2[%dma_wait3A_171, %dma_wait3A_172] : memref<100000x32xf32, #tpu.memory_space<hbm>> -> memref<100000x32xf32, #tpu.memory_space<hbm>>
        tpu.wait_indirect_dma semaphore(%arg27 : memref<!tpu.dma_semaphore, #tpu.memory_space<semaphore_mem>>) src(%dma_wait3A_173 : memref<100000x32xf32, #tpu.memory_space<hbm>>) dst(%arg21 : memref<64x32xf32, #tpu.memory_space<vmem>>)
        %dma_wait3A_174 = arith.constant 0 : i32
        %dma_wait3A_175 = arith.constant 0 : i32
        %dma_wait3A_176 = tpu.memref_slice %arg2[%dma_wait3A_174, %dma_wait3A_175] : memref<100000x32xf32, #tpu.memory_space<hbm>> -> memref<100000x32xf32, #tpu.memory_space<hbm>>
        tpu.wait_indirect_dma semaphore(%arg28 : memref<!tpu.dma_semaphore, #tpu.memory_space<semaphore_mem>>) src(%dma_wait3A_176 : memref<100000x32xf32, #tpu.memory_space<hbm>>) dst(%arg22 : memref<64x32xf32, #tpu.memory_space<vmem>>)
        %scan3A_177 = arith.constant 0 : i32
        %scan3A_178 = arith.constant 0 : i32
        %scan3A_179 = arith.constant 64 : i32
        %scan3A_180 = arith.addi %scan3A_178, %scan3A_179 : i32
        %scan3A_181 = arith.constant 1 : i32
        scf.for %scan3A_183 = %scan3A_178 to %scan3A_180 step %scan3A_181  : i32 {
          %iota3A = tpu.iota {dimensions = array<i32: 0>} : vector<16xi32>
          %broadcast_in_dim3A_184 = vector.broadcast %scan3A_183 : i32 to vector<16xi32>
          %get3A_185 = arith.index_cast %scan3A_183 : i32 to index
          %get3A_186 = tpu.vector_load %arg20[%get3A_185] {strides = array<i32>} : memref<80xi32, #tpu.memory_space<vmem>>, vector<16xi32>,
          %slice3A_187 = vector.extract_strided_slice %get3A_186 {offsets = [0], sizes = [1], strides = [1]} : vector<16xi32> to vector<1xi32>
          %squeeze3A_188 = vector.extract %slice3A_187[0] : i32 from vector<1xi32>
          %get3A_189 = arith.index_cast %scan3A_183 : i32 to index
          %get3A_190 = tpu.vector_load %arg19[%get3A_189] {strides = array<i32>} : memref<80xf32, #tpu.memory_space<vmem>>, vector<16xf32>,
          %slice3A_191 = vector.extract_strided_slice %get3A_190 {offsets = [0], sizes = [1], strides = [1]} : vector<16xf32> to vector<1xf32>
          %squeeze3A_192 = vector.extract %slice3A_191[0] : f32 from vector<1xf32>
          %gather3A = tpu.vector_load_idx %arg21[%broadcast_in_dim3A_184, %iota3A] : memref<64x32xf32, #tpu.memory_space<vmem>>[vector<16xi32>, vector<16xi32>], vector<16xf32>,
          %add3A_193 = arith.constant 16 : i32
          %add3A_194 = vector.broadcast %add3A_193 : i32 to vector<16xi32>
          %add3A_195 = arith.addi %iota3A, %add3A_194 : vector<16xi32>
          %gather3A_196 = tpu.vector_load_idx %arg21[%broadcast_in_dim3A_184, %add3A_195] : memref<64x32xf32, #tpu.memory_space<vmem>>[vector<16xi32>, vector<16xi32>], vector<16xf32>,
          %gather3A_197 = tpu.vector_load_idx %arg22[%broadcast_in_dim3A_184, %iota3A] : memref<64x32xf32, #tpu.memory_space<vmem>>[vector<16xi32>, vector<16xi32>], vector<16xf32>,
          %add3A_198 = arith.constant 16 : i32
          %add3A_199 = vector.broadcast %add3A_198 : i32 to vector<16xi32>
          %add3A_200 = arith.addi %iota3A, %add3A_199 : vector<16xi32>
          %gather3A_201 = tpu.vector_load_idx %arg22[%broadcast_in_dim3A_184, %add3A_200] : memref<64x32xf32, #tpu.memory_space<vmem>>[vector<16xi32>, vector<16xi32>], vector<16xf32>,
          %sub3A_202 = arith.subf %gather3A, %gather3A_197 : vector<16xf32>
          %max3A = arith.constant 0.000000e+00 : f32
          %max3A_203 = vector.broadcast %max3A : f32 to vector<16xf32>
          %max3A_204 = arith.maximumf %sub3A_202, %max3A_203 : vector<16xf32>
          %mul3A_205 = vector.broadcast %squeeze3A_192 : f32 to vector<16xf32>
          %mul3A_206 = arith.mulf %mul3A_205, %max3A_204 : vector<16xf32>
          %sub3A_207 = arith.subf %gather3A_196, %gather3A_201 : vector<16xf32>
          %max3A_208 = arith.constant 0.000000e+00 : f32
          %max3A_209 = vector.broadcast %max3A_208 : f32 to vector<16xf32>
          %max3A_210 = arith.maximumf %sub3A_207, %max3A_209 : vector<16xf32>
          %mul3A_211 = vector.broadcast %squeeze3A_192 : f32 to vector<16xf32>
          %mul3A_212 = arith.mulf %mul3A_211, %max3A_210 : vector<16xf32>
          %mul3A_213 = arith.constant 32 : i32
          %mul3A_214 = arith.muli %squeeze3A_188, %mul3A_213 : i32
          %get3A_215 = arith.index_cast %mul3A_214 : i32 to index
          %get3A_216 = tpu.vector_load %arg9[%get3A_215] {strides = array<i32>} : memref<100352xf32, #tpu.memory_space<vmem>>, vector<16xf32>,
          %max3A_217 = arith.maximumf %get3A_216, %mul3A_206 : vector<16xf32>
          %swap3A_218 = arith.index_cast %mul3A_214 : i32 to index
          %swap3A_219 = tpu.vector_load %arg9[%swap3A_218] {strides = array<i32>} : memref<100352xf32, #tpu.memory_space<vmem>>, vector<16xf32>,
          tpu.vector_store %arg9[%swap3A_218], %max3A_217 {strides = array<i32>} : memref<100352xf32, #tpu.memory_space<vmem>>, vector<16xf32>,
          %add3A_220 = arith.constant 16 : i32
          %add3A_221 = arith.addi %mul3A_214, %add3A_220 : i32
          %get3A_222 = arith.index_cast %add3A_221 : i32 to index
          %get3A_223 = tpu.vector_load %arg9[%get3A_222] {strides = array<i32>} : memref<100352xf32, #tpu.memory_space<vmem>>, vector<16xf32>,
          %max3A_224 = arith.maximumf %get3A_223, %mul3A_212 : vector<16xf32>
          %add3A_225 = arith.constant 16 : i32
          %add3A_226 = arith.addi %mul3A_214, %add3A_225 : i32
          %swap3A_227 = arith.index_cast %add3A_226 : i32 to index
          %swap3A_228 = tpu.vector_load %arg9[%swap3A_227] {strides = array<i32>} : memref<100352xf32, #tpu.memory_space<vmem>>, vector<16xf32>,
          tpu.vector_store %arg9[%swap3A_227], %max3A_224 {strides = array<i32>} : memref<100352xf32, #tpu.memory_space<vmem>>, vector<16xf32>,
        }
        %scan3A_182 = arith.constant 64 : i32
      }
      %while3A_108 = arith.constant 1 : i32
      scf.for %while3A_156 = %while3A_106 to %while3A_102 step %while3A_108  : i32 {
        %mul3A_157 = arith.constant 64 : i32
        %mul3A_158 = arith.muli %while3A_156, %mul3A_157 : i32
        %scan3A_159 = arith.constant 0 : i32
        %scan3A_160 = arith.constant 0 : i32
        %scan3A_161 = arith.constant 4 : i32
        %scan3A_162 = arith.addi %scan3A_160, %scan3A_161 : i32
        %scan3A_163 = arith.constant 1 : i32
        scf.for %scan3A_183 = %scan3A_160 to %scan3A_162 step %scan3A_163  : i32 {
          %iota3A = tpu.iota {dimensions = array<i32: 0>} : vector<16xi32>
          %mul3A_184 = arith.constant 16 : i32
          %mul3A_185 = arith.muli %scan3A_183, %mul3A_184 : i32
          %add3A_186 = vector.broadcast %mul3A_185 : i32 to vector<16xi32>
          %add3A_187 = arith.addi %iota3A, %add3A_186 : vector<16xi32>
          %add3A_188 = vector.broadcast %mul3A_158 : i32 to vector<16xi32>
          %add3A_189 = arith.addi %add3A_187, %add3A_188 : vector<16xi32>
          %gather3A = tpu.vector_load_idx %arg14[%add3A_189] : memref<2096xi32, #tpu.memory_space<vmem>>[vector<16xi32>], vector<16xi32>,
          %add3A_190 = vector.broadcast %mul3A_158 : i32 to vector<16xi32>
          %add3A_191 = arith.addi %add3A_187, %add3A_190 : vector<16xi32>
          %gather3A_192 = tpu.vector_load_idx %arg15[%add3A_191] : memref<2096xi32, #tpu.memory_space<vmem>>[vector<16xi32>], vector<16xi32>,
          %add3A_193 = vector.broadcast %mul3A_158 : i32 to vector<16xi32>
          %add3A_194 = arith.addi %add3A_187, %add3A_193 : vector<16xi32>
          %gather3A_195 = tpu.vector_load_idx %arg16[%add3A_194] : memref<2096xf32, #tpu.memory_space<vmem>>[vector<16xi32>], vector<16xf32>,
          %sub3A_196 = arith.constant 64 : i32
          %sub3A_197 = vector.broadcast %sub3A_196 : i32 to vector<16xi32>
          %sub3A_198 = arith.subi %sub3A_197, %add3A_187 : vector<16xi32>
          %max3A = arith.constant 0 : i32
          %max3A_199 = vector.broadcast %max3A : i32 to vector<16xi32>
          %max3A_200 = arith.maxsi %sub3A_198, %max3A_199 : vector<16xi32>
          %min3A = arith.constant 1 : i32
          %min3A_201 = vector.broadcast %min3A : i32 to vector<16xi32>
          %min3A_202 = arith.minsi %max3A_200, %min3A_201 : vector<16xi32>
          %convert_element_type3A = arith.sitofp %min3A_202 : vector<16xi32> to vector<16xf32>
          %mul3A_203 = arith.mulf %gather3A_195, %convert_element_type3A : vector<16xf32>
          %sub3A_204 = arith.constant 1.000000e+00 : f32
          %sub3A_205 = vector.broadcast %sub3A_204 : f32 to vector<16xf32>
          %sub3A_206 = arith.subf %sub3A_205, %convert_element_type3A : vector<16xf32>
          %add3A_207 = arith.addf %mul3A_203, %sub3A_206 : vector<16xf32>
          %sub3A_208 = vector.broadcast %mul3A_2 : i32 to vector<16xi32>
          %sub3A_209 = arith.subi %gather3A, %sub3A_208 : vector<16xi32>
          %max3A_210 = arith.constant 0 : i32
          %max3A_211 = vector.broadcast %max3A_210 : i32 to vector<16xi32>
          %max3A_212 = arith.maxsi %sub3A_209, %max3A_211 : vector<16xi32>
          %min3A_213 = arith.constant 3135 : i32
          %min3A_214 = vector.broadcast %min3A_213 : i32 to vector<16xi32>
          %min3A_215 = arith.minsi %max3A_212, %min3A_214 : vector<16xi32>
          %bitcast3A = vector.bitcast %add3A_207 : vector<16xf32> to vector<16xi32>
          %shift_right_logical3A = arith.constant 1 : i32
          %shift_right_logical3A_216 = vector.broadcast %shift_right_logical3A : i32 to vector<16xi32>
          %shift_right_logical3A_217 = arith.shrui %bitcast3A, %shift_right_logical3A_216 : vector<16xi32>
          %sub3A_218 = arith.constant 1597463007 : i32
          %sub3A_219 = vector.broadcast %sub3A_218 : i32 to vector<16xi32>
          %sub3A_220 = arith.subi %sub3A_219, %shift_right_logical3A_217 : vector<16xi32>
          %bitcast3A_221 = vector.bitcast %sub3A_220 : vector<16xi32> to vector<16xf32>
          %mul3A_222 = arith.constant 5.000000e-01 : f32
          %mul3A_223 = vector.broadcast %mul3A_222 : f32 to vector<16xf32>
          %mul3A_224 = arith.mulf %mul3A_223, %add3A_207 : vector<16xf32>
          %mul3A_225 = arith.mulf %mul3A_224, %bitcast3A_221 : vector<16xf32>
          %mul3A_226 = arith.mulf %mul3A_225, %bitcast3A_221 : vector<16xf32>
          %sub3A_227 = arith.constant 1.500000e+00 : f32
          %sub3A_228 = vector.broadcast %sub3A_227 : f32 to vector<16xf32>
          %sub3A_229 = arith.subf %sub3A_228, %mul3A_226 : vector<16xf32>
          %mul3A_230 = arith.mulf %bitcast3A_221, %sub3A_229 : vector<16xf32>
          %mul3A_231 = arith.mulf %mul3A_224, %mul3A_230 : vector<16xf32>
          %mul3A_232 = arith.mulf %mul3A_231, %mul3A_230 : vector<16xf32>
          %sub3A_233 = arith.constant 1.500000e+00 : f32
          %sub3A_234 = vector.broadcast %sub3A_233 : f32 to vector<16xf32>
          %sub3A_235 = arith.subf %sub3A_234, %mul3A_232 : vector<16xf32>
          %mul3A_236 = arith.mulf %mul3A_230, %sub3A_235 : vector<16xf32>
          %mul3A_237 = arith.mulf %mul3A_224, %mul3A_236 : vector<16xf32>
          %mul3A_238 = arith.mulf %mul3A_237, %mul3A_236 : vector<16xf32>
          %sub3A_239 = arith.constant 1.500000e+00 : f32
          %sub3A_240 = vector.broadcast %sub3A_239 : f32 to vector<16xf32>
          %sub3A_241 = arith.subf %sub3A_240, %mul3A_238 : vector<16xf32>
          %mul3A_242 = arith.mulf %mul3A_236, %sub3A_241 : vector<16xf32>
          %mul3A_243 = arith.constant 16 : i32
          %mul3A_244 = arith.muli %scan3A_183, %mul3A_243 : i32
          %swap3A_245 = arith.index_cast %mul3A_244 : i32 to index
          %swap3A_246 = tpu.vector_load %arg17[%swap3A_245] {strides = array<i32>} : memref<64xi32, #tpu.memory_space<vmem>>, vector<16xi32>,
          tpu.vector_store %arg17[%swap3A_245], %gather3A {strides = array<i32>} : memref<64xi32, #tpu.memory_space<vmem>>, vector<16xi32>,
          %mul3A_247 = arith.constant 16 : i32
          %mul3A_248 = arith.muli %scan3A_183, %mul3A_247 : i32
          %swap3A_249 = arith.index_cast %mul3A_248 : i32 to index
          %swap3A_250 = tpu.vector_load %arg18[%swap3A_249] {strides = array<i32>} : memref<64xi32, #tpu.memory_space<vmem>>, vector<16xi32>,
          tpu.vector_store %arg18[%swap3A_249], %gather3A_192 {strides = array<i32>} : memref<64xi32, #tpu.memory_space<vmem>>, vector<16xi32>,
          %mul3A_251 = arith.constant 16 : i32
          %mul3A_252 = arith.muli %scan3A_183, %mul3A_251 : i32
          %swap3A_253 = arith.index_cast %mul3A_252 : i32 to index
          %swap3A_254 = tpu.vector_load %arg20[%swap3A_253] {strides = array<i32>} : memref<80xi32, #tpu.memory_space<vmem>>, vector<16xi32>,
          tpu.vector_store %arg20[%swap3A_253], %min3A_215 {strides = array<i32>} : memref<80xi32, #tpu.memory_space<vmem>>, vector<16xi32>,
          %mul3A_255 = arith.mulf %add3A_207, %mul3A_242 : vector<16xf32>
          %mul3A_256 = arith.constant 16 : i32
          %mul3A_257 = arith.muli %scan3A_183, %mul3A_256 : i32
          %swap3A_258 = arith.index_cast %mul3A_257 : i32 to index
          %swap3A_259 = tpu.vector_load %arg19[%swap3A_258] {strides = array<i32>} : memref<80xf32, #tpu.memory_space<vmem>>, vector<16xf32>,
          tpu.vector_store %arg19[%swap3A_258], %mul3A_255 {strides = array<i32>} : memref<80xf32, #tpu.memory_space<vmem>>, vector<16xf32>,
          %mul3A_260 = arith.mulf %add3A_207, %convert_element_type3A : vector<16xf32>
          tpu.vector_store_idx %arg10[%min3A_215], %mul3A_260 {add = true} : memref<3152xf32, #tpu.memory_space<vmem>>[vector<16xi32>], vector<16xf32>,
        }
        %scan3A_164 = arith.constant 4 : i32
        %dma_start3A_165 = arith.constant 0 : i32
        %dma_start3A_166 = arith.constant 0 : i32
        %dma_start3A_167 = tpu.memref_slice %arg2[%dma_start3A_165, %dma_start3A_166] : memref<100000x32xf32, #tpu.memory_space<hbm>> -> memref<100000x32xf32, #tpu.memory_space<hbm>>
        tpu.enqueue_indirect_dma source(%dma_start3A_167 : memref<100000x32xf32, #tpu.memory_space<hbm>>) target(%arg21 : memref<64x32xf32, #tpu.memory_space<vmem>>) offsets(%arg17 : memref<64xi32, #tpu.memory_space<vmem>>) semaphore(%arg27 : memref<!tpu.dma_semaphore, #tpu.memory_space<semaphore_mem>>)
        %dma_start3A_168 = arith.constant 0 : i32
        %dma_start3A_169 = arith.constant 0 : i32
        %dma_start3A_170 = tpu.memref_slice %arg2[%dma_start3A_168, %dma_start3A_169] : memref<100000x32xf32, #tpu.memory_space<hbm>> -> memref<100000x32xf32, #tpu.memory_space<hbm>>
        tpu.enqueue_indirect_dma source(%dma_start3A_170 : memref<100000x32xf32, #tpu.memory_space<hbm>>) target(%arg22 : memref<64x32xf32, #tpu.memory_space<vmem>>) offsets(%arg18 : memref<64xi32, #tpu.memory_space<vmem>>) semaphore(%arg28 : memref<!tpu.dma_semaphore, #tpu.memory_space<semaphore_mem>>)
        %dma_wait3A_171 = arith.constant 0 : i32
        %dma_wait3A_172 = arith.constant 0 : i32
        %dma_wait3A_173 = tpu.memref_slice %arg2[%dma_wait3A_171, %dma_wait3A_172] : memref<100000x32xf32, #tpu.memory_space<hbm>> -> memref<100000x32xf32, #tpu.memory_space<hbm>>
        tpu.wait_indirect_dma semaphore(%arg27 : memref<!tpu.dma_semaphore, #tpu.memory_space<semaphore_mem>>) src(%dma_wait3A_173 : memref<100000x32xf32, #tpu.memory_space<hbm>>) dst(%arg21 : memref<64x32xf32, #tpu.memory_space<vmem>>)
        %dma_wait3A_174 = arith.constant 0 : i32
        %dma_wait3A_175 = arith.constant 0 : i32
        %dma_wait3A_176 = tpu.memref_slice %arg2[%dma_wait3A_174, %dma_wait3A_175] : memref<100000x32xf32, #tpu.memory_space<hbm>> -> memref<100000x32xf32, #tpu.memory_space<hbm>>
        tpu.wait_indirect_dma semaphore(%arg28 : memref<!tpu.dma_semaphore, #tpu.memory_space<semaphore_mem>>) src(%dma_wait3A_176 : memref<100000x32xf32, #tpu.memory_space<hbm>>) dst(%arg22 : memref<64x32xf32, #tpu.memory_space<vmem>>)
        %scan3A_177 = arith.constant 0 : i32
        %scan3A_178 = arith.constant 0 : i32
        %scan3A_179 = arith.constant 64 : i32
        %scan3A_180 = arith.addi %scan3A_178, %scan3A_179 : i32
        %scan3A_181 = arith.constant 1 : i32
        scf.for %scan3A_183 = %scan3A_178 to %scan3A_180 step %scan3A_181  : i32 {
          %iota3A = tpu.iota {dimensions = array<i32: 0>} : vector<16xi32>
          %broadcast_in_dim3A_184 = vector.broadcast %scan3A_183 : i32 to vector<16xi32>
          %get3A_185 = arith.index_cast %scan3A_183 : i32 to index
          %get3A_186 = tpu.vector_load %arg20[%get3A_185] {strides = array<i32>} : memref<80xi32, #tpu.memory_space<vmem>>, vector<16xi32>,
          %slice3A_187 = vector.extract_strided_slice %get3A_186 {offsets = [0], sizes = [1], strides = [1]} : vector<16xi32> to vector<1xi32>
          %squeeze3A_188 = vector.extract %slice3A_187[0] : i32 from vector<1xi32>
          %get3A_189 = arith.index_cast %scan3A_183 : i32 to index
          %get3A_190 = tpu.vector_load %arg19[%get3A_189] {strides = array<i32>} : memref<80xf32, #tpu.memory_space<vmem>>, vector<16xf32>,
          %slice3A_191 = vector.extract_strided_slice %get3A_190 {offsets = [0], sizes = [1], strides = [1]} : vector<16xf32> to vector<1xf32>
          %squeeze3A_192 = vector.extract %slice3A_191[0] : f32 from vector<1xf32>
          %gather3A = tpu.vector_load_idx %arg21[%broadcast_in_dim3A_184, %iota3A] : memref<64x32xf32, #tpu.memory_space<vmem>>[vector<16xi32>, vector<16xi32>], vector<16xf32>,
          %add3A_193 = arith.constant 16 : i32
          %add3A_194 = vector.broadcast %add3A_193 : i32 to vector<16xi32>
          %add3A_195 = arith.addi %iota3A, %add3A_194 : vector<16xi32>
          %gather3A_196 = tpu.vector_load_idx %arg21[%broadcast_in_dim3A_184, %add3A_195] : memref<64x32xf32, #tpu.memory_space<vmem>>[vector<16xi32>, vector<16xi32>], vector<16xf32>,
          %gather3A_197 = tpu.vector_load_idx %arg22[%broadcast_in_dim3A_184, %iota3A] : memref<64x32xf32, #tpu.memory_space<vmem>>[vector<16xi32>, vector<16xi32>], vector<16xf32>,
          %add3A_198 = arith.constant 16 : i32
          %add3A_199 = vector.broadcast %add3A_198 : i32 to vector<16xi32>
          %add3A_200 = arith.addi %iota3A, %add3A_199 : vector<16xi32>
          %gather3A_201 = tpu.vector_load_idx %arg22[%broadcast_in_dim3A_184, %add3A_200] : memref<64x32xf32, #tpu.memory_space<vmem>>[vector<16xi32>, vector<16xi32>], vector<16xf32>,
          %sub3A_202 = arith.subf %gather3A, %gather3A_197 : vector<16xf32>
          %max3A = arith.constant 0.000000e+00 : f32
          %max3A_203 = vector.broadcast %max3A : f32 to vector<16xf32>
          %max3A_204 = arith.maximumf %sub3A_202, %max3A_203 : vector<16xf32>
          %mul3A_205 = vector.broadcast %squeeze3A_192 : f32 to vector<16xf32>
          %mul3A_206 = arith.mulf %mul3A_205, %max3A_204 : vector<16xf32>
          %sub3A_207 = arith.subf %gather3A_196, %gather3A_201 : vector<16xf32>
          %max3A_208 = arith.constant 0.000000e+00 : f32
          %max3A_209 = vector.broadcast %max3A_208 : f32 to vector<16xf32>
          %max3A_210 = arith.maximumf %sub3A_207, %max3A_209 : vector<16xf32>
          %mul3A_211 = vector.broadcast %squeeze3A_192 : f32 to vector<16xf32>
          %mul3A_212 = arith.mulf %mul3A_211, %max3A_210 : vector<16xf32>
          %mul3A_213 = arith.constant 32 : i32
          %mul3A_214 = arith.muli %squeeze3A_188, %mul3A_213 : i32
          %get3A_215 = arith.index_cast %mul3A_214 : i32 to index
          %get3A_216 = tpu.vector_load %arg9[%get3A_215] {strides = array<i32>} : memref<100352xf32, #tpu.memory_space<vmem>>, vector<16xf32>,
          %max3A_217 = arith.maximumf %get3A_216, %mul3A_206 : vector<16xf32>
          %swap3A_218 = arith.index_cast %mul3A_214 : i32 to index
          %swap3A_219 = tpu.vector_load %arg9[%swap3A_218] {strides = array<i32>} : memref<100352xf32, #tpu.memory_space<vmem>>, vector<16xf32>,
          tpu.vector_store %arg9[%swap3A_218], %max3A_217 {strides = array<i32>} : memref<100352xf32, #tpu.memory_space<vmem>>, vector<16xf32>,
          %add3A_220 = arith.constant 16 : i32
          %add3A_221 = arith.addi %mul3A_214, %add3A_220 : i32
          %get3A_222 = arith.index_cast %add3A_221 : i32 to index
          %get3A_223 = tpu.vector_load %arg9[%get3A_222] {strides = array<i32>} : memref<100352xf32, #tpu.memory_space<vmem>>, vector<16xf32>,
          %max3A_224 = arith.maximumf %get3A_223, %mul3A_212 : vector<16xf32>
          %add3A_225 = arith.constant 16 : i32
          %add3A_226 = arith.addi %mul3A_214, %add3A_225 : i32
          %swap3A_227 = arith.index_cast %add3A_226 : i32 to index
          %swap3A_228 = tpu.vector_load %arg9[%swap3A_227] {strides = array<i32>} : memref<100352xf32, #tpu.memory_space<vmem>>, vector<16xf32>,
          tpu.vector_store %arg9[%swap3A_227], %max3A_224 {strides = array<i32>} : memref<100352xf32, #tpu.memory_space<vmem>>, vector<16xf32>,
        }
        %scan3A_182 = arith.constant 64 : i32
      }
      %mul3A_109 = arith.constant 64 : i32
      %mul3A_110 = arith.muli %select_n3A, %mul3A_109 : i32
      %sub3A_111 = arith.subi %squeeze3A, %mul3A_110 : i32
      %mul3A_112 = arith.constant 64 : i32
      %mul3A_113 = arith.muli %select_n3A, %mul3A_112 : i32
      %add3A_114 = arith.constant 15 : i32
      %add3A_115 = arith.addi %sub3A_111, %add3A_114 : i32
      %jit3A_116 = arith.constant 16 : i32
      %div3A_117 = arith.divsi %add3A_115, %jit3A_116 : i32
      %sign3A_118 = arith.constant 0 : i32
      %sign3A_119 = arith.cmpi sgt, %add3A_115, %sign3A_118 : i32
      %sign3A_120 = arith.extui %sign3A_119 : i1 to i32
      %sign3A_121 = arith.constant 0 : i32
      %sign3A_122 = arith.cmpi slt, %add3A_115, %sign3A_121 : i32
      %sign3A_123 = arith.extui %sign3A_122 : i1 to i32
      %sign3A_124 = arith.subi %sign3A_120, %sign3A_123 : i32
      %sign3A_125 = arith.constant 0 : i32
      %sign3A_126 = arith.cmpi sgt, %jit3A_116, %sign3A_125 : i32
      %sign3A_127 = arith.extui %sign3A_126 : i1 to i32
      %sign3A_128 = arith.constant 0 : i32
      %sign3A_129 = arith.cmpi slt, %jit3A_116, %sign3A_128 : i32
      %sign3A_130 = arith.extui %sign3A_129 : i1 to i32
      %sign3A_131 = arith.subi %sign3A_127, %sign3A_130 : i32
      %ne3A_132 = arith.cmpi ne, %sign3A_124, %sign3A_131 : i32
      %rem3A_133 = arith.remsi %add3A_115, %jit3A_116 : i32
      %ne3A_134 = arith.constant 0 : i32
      %ne3A_135 = arith.cmpi ne, %rem3A_133, %ne3A_134 : i32
      %and3A_136 = arith.andi %ne3A_132, %ne3A_135 : i1
      %sub3A_137 = arith.constant 1 : i32
      %sub3A_138 = arith.subi %div3A_117, %sub3A_137 : i32
      %select_n3A_139 = arith.select %and3A_136, %sub3A_138, %div3A_117 : i32
      %while3A_140 = arith.constant 0 : i32
      %while3A_141 = arith.constant 0 : i32
      %while3A_142 = arith.subi %select_n3A_139, %while3A_141 : i32
      %while3A_143 = arith.addi %while3A_141, %while3A_142 : i32
      %while3A_144 = arith.constant 1 : i32
      %while3A_145 = arith.divsi %while3A_142, %while3A_144 : i32
      %while3A_146 = arith.muli %while3A_145, %while3A_144 : i32
      %while3A_147 = arith.addi %while3A_141, %while3A_146 : i32
      %while3A_148 = arith.constant 1 : i32
      scf.for %while3A_156 = %while3A_141 to %while3A_147 step %while3A_148  : i32 {
        %mul3A_157 = arith.constant 16 : i32
        %mul3A_158 = arith.muli %while3A_156, %mul3A_157 : i32
        %add3A_159 = arith.addi %mul3A_113, %mul3A_158 : i32
        %get3A_160 = arith.index_cast %add3A_159 : i32 to index
        %get3A_161 = tpu.vector_load %arg14[%get3A_160] {strides = array<i32>} : memref<2096xi32, #tpu.memory_space<vmem>>, vector<16xi32>,
        %mul3A_162 = arith.constant 16 : i32
        %mul3A_163 = arith.muli %while3A_156, %mul3A_162 : i32
        %swap3A_164 = arith.index_cast %mul3A_163 : i32 to index
        %swap3A_165 = tpu.vector_load %arg14[%swap3A_164] {strides = array<i32>} : memref<2096xi32, #tpu.memory_space<vmem>>, vector<16xi32>,
        tpu.vector_store %arg14[%swap3A_164], %get3A_161 {strides = array<i32>} : memref<2096xi32, #tpu.memory_space<vmem>>, vector<16xi32>,
        %mul3A_166 = arith.constant 16 : i32
        %mul3A_167 = arith.muli %while3A_156, %mul3A_166 : i32
        %add3A_168 = arith.addi %mul3A_113, %mul3A_167 : i32
        %get3A_169 = arith.index_cast %add3A_168 : i32 to index
        %get3A_170 = tpu.vector_load %arg15[%get3A_169] {strides = array<i32>} : memref<2096xi32, #tpu.memory_space<vmem>>, vector<16xi32>,
        %mul3A_171 = arith.constant 16 : i32
        %mul3A_172 = arith.muli %while3A_156, %mul3A_171 : i32
        %swap3A_173 = arith.index_cast %mul3A_172 : i32 to index
        %swap3A_174 = tpu.vector_load %arg15[%swap3A_173] {strides = array<i32>} : memref<2096xi32, #tpu.memory_space<vmem>>, vector<16xi32>,
        tpu.vector_store %arg15[%swap3A_173], %get3A_170 {strides = array<i32>} : memref<2096xi32, #tpu.memory_space<vmem>>, vector<16xi32>,
        %mul3A_175 = arith.constant 16 : i32
        %mul3A_176 = arith.muli %while3A_156, %mul3A_175 : i32
        %add3A_177 = arith.addi %mul3A_113, %mul3A_176 : i32
        %get3A_178 = arith.index_cast %add3A_177 : i32 to index
        %get3A_179 = tpu.vector_load %arg16[%get3A_178] {strides = array<i32>} : memref<2096xf32, #tpu.memory_space<vmem>>, vector<16xf32>,
        %mul3A_180 = arith.constant 16 : i32
        %mul3A_181 = arith.muli %while3A_156, %mul3A_180 : i32
        %swap3A_182 = arith.index_cast %mul3A_181 : i32 to index
        %swap3A_183 = tpu.vector_load %arg16[%swap3A_182] {strides = array<i32>} : memref<2096xf32, #tpu.memory_space<vmem>>, vector<16xf32>,
        tpu.vector_store %arg16[%swap3A_182], %get3A_179 {strides = array<i32>} : memref<2096xf32, #tpu.memory_space<vmem>>, vector<16xf32>,
      }
      %while3A_149 = arith.constant 1 : i32
      scf.for %while3A_156 = %while3A_147 to %while3A_143 step %while3A_149  : i32 {
        %mul3A_157 = arith.constant 16 : i32
        %mul3A_158 = arith.muli %while3A_156, %mul3A_157 : i32
        %add3A_159 = arith.addi %mul3A_113, %mul3A_158 : i32
        %get3A_160 = arith.index_cast %add3A_159 : i32 to index
        %get3A_161 = tpu.vector_load %arg14[%get3A_160] {strides = array<i32>} : memref<2096xi32, #tpu.memory_space<vmem>>, vector<16xi32>,
        %mul3A_162 = arith.constant 16 : i32
        %mul3A_163 = arith.muli %while3A_156, %mul3A_162 : i32
        %swap3A_164 = arith.index_cast %mul3A_163 : i32 to index
        %swap3A_165 = tpu.vector_load %arg14[%swap3A_164] {strides = array<i32>} : memref<2096xi32, #tpu.memory_space<vmem>>, vector<16xi32>,
        tpu.vector_store %arg14[%swap3A_164], %get3A_161 {strides = array<i32>} : memref<2096xi32, #tpu.memory_space<vmem>>, vector<16xi32>,
        %mul3A_166 = arith.constant 16 : i32
        %mul3A_167 = arith.muli %while3A_156, %mul3A_166 : i32
        %add3A_168 = arith.addi %mul3A_113, %mul3A_167 : i32
        %get3A_169 = arith.index_cast %add3A_168 : i32 to index
        %get3A_170 = tpu.vector_load %arg15[%get3A_169] {strides = array<i32>} : memref<2096xi32, #tpu.memory_space<vmem>>, vector<16xi32>,
        %mul3A_171 = arith.constant 16 : i32
        %mul3A_172 = arith.muli %while3A_156, %mul3A_171 : i32
        %swap3A_173 = arith.index_cast %mul3A_172 : i32 to index
        %swap3A_174 = tpu.vector_load %arg15[%swap3A_173] {strides = array<i32>} : memref<2096xi32, #tpu.memory_space<vmem>>, vector<16xi32>,
        tpu.vector_store %arg15[%swap3A_173], %get3A_170 {strides = array<i32>} : memref<2096xi32, #tpu.memory_space<vmem>>, vector<16xi32>,
        %mul3A_175 = arith.constant 16 : i32
        %mul3A_176 = arith.muli %while3A_156, %mul3A_175 : i32
        %add3A_177 = arith.addi %mul3A_113, %mul3A_176 : i32
        %get3A_178 = arith.index_cast %add3A_177 : i32 to index
        %get3A_179 = tpu.vector_load %arg16[%get3A_178] {strides = array<i32>} : memref<2096xf32, #tpu.memory_space<vmem>>, vector<16xf32>,
        %mul3A_180 = arith.constant 16 : i32
        %mul3A_181 = arith.muli %while3A_156, %mul3A_180 : i32
        %swap3A_182 = arith.index_cast %mul3A_181 : i32 to index
        %swap3A_183 = tpu.vector_load %arg16[%swap3A_182] {strides = array<i32>} : memref<2096xf32, #tpu.memory_space<vmem>>, vector<16xf32>,
        tpu.vector_store %arg16[%swap3A_182], %get3A_179 {strides = array<i32>} : memref<2096xf32, #tpu.memory_space<vmem>>, vector<16xf32>,
      }
      %broadcast_in_dim3A_150 = arith.constant 1 : i32
      %broadcast_in_dim3A_151 = vector.broadcast %broadcast_in_dim3A_150 : i32 to vector<16xi32>
      %mul3A_152 = vector.broadcast %sub3A_111 : i32 to vector<16xi32>
      %mul3A_153 = arith.muli %broadcast_in_dim3A_151, %mul3A_152 : vector<16xi32>
      %swap3A_154 = arith.constant 32 : index
      %swap3A_155 = tpu.vector_load %arg26[%swap3A_154] {strides = array<i32>} : memref<64xi32, #tpu.memory_space<vmem>>, vector<16xi32>,
      tpu.vector_store %arg26[%swap3A_154], %mul3A_153 {strides = array<i32>} : memref<64xi32, #tpu.memory_space<vmem>>, vector<16xi32>,
      scf.yield %sub3A_111 : i32
    }
    %scan3A_22 = arith.constant 800 : i32
    %scan3A_23 = arith.constant 0 : i32
    %scan3A_24 = arith.constant 0 : i32
    %scan3A_25 = arith.constant 4 : i32
    %scan3A_26 = arith.addi %scan3A_24, %scan3A_25 : i32
    %scan3A_27 = arith.constant 1 : i32
    scf.for %scan3A_60 = %scan3A_24 to %scan3A_26 step %scan3A_27  : i32 {
      %iota3A = tpu.iota {dimensions = array<i32: 0>} : vector<16xi32>
      %mul3A_61 = arith.constant 16 : i32
      %mul3A_62 = arith.muli %scan3A_60, %mul3A_61 : i32
      %add3A_63 = vector.broadcast %mul3A_62 : i32 to vector<16xi32>
      %add3A_64 = arith.addi %iota3A, %add3A_63 : vector<16xi32>
      %add3A_65 = arith.constant 0 : i32
      %add3A_66 = vector.broadcast %add3A_65 : i32 to vector<16xi32>
      %add3A_67 = arith.addi %add3A_64, %add3A_66 : vector<16xi32>
      %gather3A = tpu.vector_load_idx %arg14[%add3A_67] : memref<2096xi32, #tpu.memory_space<vmem>>[vector<16xi32>], vector<16xi32>,
      %add3A_68 = arith.constant 0 : i32
      %add3A_69 = vector.broadcast %add3A_68 : i32 to vector<16xi32>
      %add3A_70 = arith.addi %add3A_64, %add3A_69 : vector<16xi32>
      %gather3A_71 = tpu.vector_load_idx %arg15[%add3A_70] : memref<2096xi32, #tpu.memory_space<vmem>>[vector<16xi32>], vector<16xi32>,
      %add3A_72 = arith.constant 0 : i32
      %add3A_73 = vector.broadcast %add3A_72 : i32 to vector<16xi32>
      %add3A_74 = arith.addi %add3A_64, %add3A_73 : vector<16xi32>
      %gather3A_75 = tpu.vector_load_idx %arg16[%add3A_74] : memref<2096xf32, #tpu.memory_space<vmem>>[vector<16xi32>], vector<16xf32>,
      %sub3A = vector.broadcast %scan3A_21 : i32 to vector<16xi32>
      %sub3A_76 = arith.subi %sub3A, %add3A_64 : vector<16xi32>
      %max3A = arith.constant 0 : i32
      %max3A_77 = vector.broadcast %max3A : i32 to vector<16xi32>
      %max3A_78 = arith.maxsi %sub3A_76, %max3A_77 : vector<16xi32>
      %min3A = arith.constant 1 : i32
      %min3A_79 = vector.broadcast %min3A : i32 to vector<16xi32>
      %min3A_80 = arith.minsi %max3A_78, %min3A_79 : vector<16xi32>
      %convert_element_type3A = arith.sitofp %min3A_80 : vector<16xi32> to vector<16xf32>
      %mul3A_81 = arith.mulf %gather3A_75, %convert_element_type3A : vector<16xf32>
      %sub3A_82 = arith.constant 1.000000e+00 : f32
      %sub3A_83 = vector.broadcast %sub3A_82 : f32 to vector<16xf32>
      %sub3A_84 = arith.subf %sub3A_83, %convert_element_type3A : vector<16xf32>
      %add3A_85 = arith.addf %mul3A_81, %sub3A_84 : vector<16xf32>
      %sub3A_86 = vector.broadcast %mul3A_2 : i32 to vector<16xi32>
      %sub3A_87 = arith.subi %gather3A, %sub3A_86 : vector<16xi32>
      %max3A_88 = arith.constant 0 : i32
      %max3A_89 = vector.broadcast %max3A_88 : i32 to vector<16xi32>
      %max3A_90 = arith.maxsi %sub3A_87, %max3A_89 : vector<16xi32>
      %min3A_91 = arith.constant 3135 : i32
      %min3A_92 = vector.broadcast %min3A_91 : i32 to vector<16xi32>
      %min3A_93 = arith.minsi %max3A_90, %min3A_92 : vector<16xi32>
      %bitcast3A = vector.bitcast %add3A_85 : vector<16xf32> to vector<16xi32>
      %shift_right_logical3A = arith.constant 1 : i32
      %shift_right_logical3A_94 = vector.broadcast %shift_right_logical3A : i32 to vector<16xi32>
      %shift_right_logical3A_95 = arith.shrui %bitcast3A, %shift_right_logical3A_94 : vector<16xi32>
      %sub3A_96 = arith.constant 1597463007 : i32
      %sub3A_97 = vector.broadcast %sub3A_96 : i32 to vector<16xi32>
      %sub3A_98 = arith.subi %sub3A_97, %shift_right_logical3A_95 : vector<16xi32>
      %bitcast3A_99 = vector.bitcast %sub3A_98 : vector<16xi32> to vector<16xf32>
      %mul3A_100 = arith.constant 5.000000e-01 : f32
      %mul3A_101 = vector.broadcast %mul3A_100 : f32 to vector<16xf32>
      %mul3A_102 = arith.mulf %mul3A_101, %add3A_85 : vector<16xf32>
      %mul3A_103 = arith.mulf %mul3A_102, %bitcast3A_99 : vector<16xf32>
      %mul3A_104 = arith.mulf %mul3A_103, %bitcast3A_99 : vector<16xf32>
      %sub3A_105 = arith.constant 1.500000e+00 : f32
      %sub3A_106 = vector.broadcast %sub3A_105 : f32 to vector<16xf32>
      %sub3A_107 = arith.subf %sub3A_106, %mul3A_104 : vector<16xf32>
      %mul3A_108 = arith.mulf %bitcast3A_99, %sub3A_107 : vector<16xf32>
      %mul3A_109 = arith.mulf %mul3A_102, %mul3A_108 : vector<16xf32>
      %mul3A_110 = arith.mulf %mul3A_109, %mul3A_108 : vector<16xf32>
      %sub3A_111 = arith.constant 1.500000e+00 : f32
      %sub3A_112 = vector.broadcast %sub3A_111 : f32 to vector<16xf32>
      %sub3A_113 = arith.subf %sub3A_112, %mul3A_110 : vector<16xf32>
      %mul3A_114 = arith.mulf %mul3A_108, %sub3A_113 : vector<16xf32>
      %mul3A_115 = arith.mulf %mul3A_102, %mul3A_114 : vector<16xf32>
      %mul3A_116 = arith.mulf %mul3A_115, %mul3A_114 : vector<16xf32>
      %sub3A_117 = arith.constant 1.500000e+00 : f32
      %sub3A_118 = vector.broadcast %sub3A_117 : f32 to vector<16xf32>
      %sub3A_119 = arith.subf %sub3A_118, %mul3A_116 : vector<16xf32>
      %mul3A_120 = arith.mulf %mul3A_114, %sub3A_119 : vector<16xf32>
      %mul3A_121 = arith.constant 16 : i32
      %mul3A_122 = arith.muli %scan3A_60, %mul3A_121 : i32
      %swap3A_123 = arith.index_cast %mul3A_122 : i32 to index
      %swap3A_124 = tpu.vector_load %arg17[%swap3A_123] {strides = array<i32>} : memref<64xi32, #tpu.memory_space<vmem>>, vector<16xi32>,
      tpu.vector_store %arg17[%swap3A_123], %gather3A {strides = array<i32>} : memref<64xi32, #tpu.memory_space<vmem>>, vector<16xi32>,
      %mul3A_125 = arith.constant 16 : i32
      %mul3A_126 = arith.muli %scan3A_60, %mul3A_125 : i32
      %swap3A_127 = arith.index_cast %mul3A_126 : i32 to index
      %swap3A_128 = tpu.vector_load %arg18[%swap3A_127] {strides = array<i32>} : memref<64xi32, #tpu.memory_space<vmem>>, vector<16xi32>,
      tpu.vector_store %arg18[%swap3A_127], %gather3A_71 {strides = array<i32>} : memref<64xi32, #tpu.memory_space<vmem>>, vector<16xi32>,
      %mul3A_129 = arith.constant 16 : i32
      %mul3A_130 = arith.muli %scan3A_60, %mul3A_129 : i32
      %swap3A_131 = arith.index_cast %mul3A_130 : i32 to index
      %swap3A_132 = tpu.vector_load %arg20[%swap3A_131] {strides = array<i32>} : memref<80xi32, #tpu.memory_space<vmem>>, vector<16xi32>,
      tpu.vector_store %arg20[%swap3A_131], %min3A_93 {strides = array<i32>} : memref<80xi32, #tpu.memory_space<vmem>>, vector<16xi32>,
      %mul3A_133 = arith.mulf %add3A_85, %mul3A_120 : vector<16xf32>
      %mul3A_134 = arith.constant 16 : i32
      %mul3A_135 = arith.muli %scan3A_60, %mul3A_134 : i32
      %swap3A_136 = arith.index_cast %mul3A_135 : i32 to index
      %swap3A_137 = tpu.vector_load %arg19[%swap3A_136] {strides = array<i32>} : memref<80xf32, #tpu.memory_space<vmem>>, vector<16xf32>,
      tpu.vector_store %arg19[%swap3A_136], %mul3A_133 {strides = array<i32>} : memref<80xf32, #tpu.memory_space<vmem>>, vector<16xf32>,
      %mul3A_138 = arith.mulf %add3A_85, %convert_element_type3A : vector<16xf32>
      tpu.vector_store_idx %arg10[%min3A_93], %mul3A_138 {add = true} : memref<3152xf32, #tpu.memory_space<vmem>>[vector<16xi32>], vector<16xf32>,
    }
    %scan3A_28 = arith.constant 4 : i32
    %dma_start3A = arith.constant 0 : i32
    %dma_start3A_29 = arith.constant 0 : i32
    %dma_start3A_30 = tpu.memref_slice %arg2[%dma_start3A, %dma_start3A_29] : memref<100000x32xf32, #tpu.memory_space<hbm>> -> memref<100000x32xf32, #tpu.memory_space<hbm>>
    tpu.enqueue_indirect_dma source(%dma_start3A_30 : memref<100000x32xf32, #tpu.memory_space<hbm>>) target(%arg21 : memref<64x32xf32, #tpu.memory_space<vmem>>) offsets(%arg17 : memref<64xi32, #tpu.memory_space<vmem>>) semaphore(%arg27 : memref<!tpu.dma_semaphore, #tpu.memory_space<semaphore_mem>>)
    %dma_start3A_31 = arith.constant 0 : i32
    %dma_start3A_32 = arith.constant 0 : i32
    %dma_start3A_33 = tpu.memref_slice %arg2[%dma_start3A_31, %dma_start3A_32] : memref<100000x32xf32, #tpu.memory_space<hbm>> -> memref<100000x32xf32, #tpu.memory_space<hbm>>
    tpu.enqueue_indirect_dma source(%dma_start3A_33 : memref<100000x32xf32, #tpu.memory_space<hbm>>) target(%arg22 : memref<64x32xf32, #tpu.memory_space<vmem>>) offsets(%arg18 : memref<64xi32, #tpu.memory_space<vmem>>) semaphore(%arg28 : memref<!tpu.dma_semaphore, #tpu.memory_space<semaphore_mem>>)
    %dma_wait3A = arith.constant 0 : i32
    %dma_wait3A_34 = arith.constant 0 : i32
    %dma_wait3A_35 = tpu.memref_slice %arg2[%dma_wait3A, %dma_wait3A_34] : memref<100000x32xf32, #tpu.memory_space<hbm>> -> memref<100000x32xf32, #tpu.memory_space<hbm>>
    tpu.wait_indirect_dma semaphore(%arg27 : memref<!tpu.dma_semaphore, #tpu.memory_space<semaphore_mem>>) src(%dma_wait3A_35 : memref<100000x32xf32, #tpu.memory_space<hbm>>) dst(%arg21 : memref<64x32xf32, #tpu.memory_space<vmem>>)
    %dma_wait3A_36 = arith.constant 0 : i32
    %dma_wait3A_37 = arith.constant 0 : i32
    %dma_wait3A_38 = tpu.memref_slice %arg2[%dma_wait3A_36, %dma_wait3A_37] : memref<100000x32xf32, #tpu.memory_space<hbm>> -> memref<100000x32xf32, #tpu.memory_space<hbm>>
    tpu.wait_indirect_dma semaphore(%arg28 : memref<!tpu.dma_semaphore, #tpu.memory_space<semaphore_mem>>) src(%dma_wait3A_38 : memref<100000x32xf32, #tpu.memory_space<hbm>>) dst(%arg22 : memref<64x32xf32, #tpu.memory_space<vmem>>)
    %while3A = arith.constant 0 : i32
    %while3A_39 = arith.constant 0 : i32
    %while3A_40 = arith.subi %scan3A_21, %while3A_39 : i32
    %while3A_41 = arith.addi %while3A_39, %while3A_40 : i32
    %while3A_42 = arith.constant 1 : i32
    %while3A_43 = arith.divsi %while3A_40, %while3A_42 : i32
    %while3A_44 = arith.muli %while3A_43, %while3A_42 : i32
    %while3A_45 = arith.addi %while3A_39, %while3A_44 : i32
    %while3A_46 = arith.constant 1 : i32
    scf.for %while3A_60 = %while3A_39 to %while3A_45 step %while3A_46  : i32 {
      %iota3A = tpu.iota {dimensions = array<i32: 0>} : vector<16xi32>
      %broadcast_in_dim3A_61 = vector.broadcast %while3A_60 : i32 to vector<16xi32>
      %get3A = arith.index_cast %while3A_60 : i32 to index
      %get3A_62 = tpu.vector_load %arg20[%get3A] {strides = array<i32>} : memref<80xi32, #tpu.memory_space<vmem>>, vector<16xi32>,
      %slice3A = vector.extract_strided_slice %get3A_62 {offsets = [0], sizes = [1], strides = [1]} : vector<16xi32> to vector<1xi32>
      %squeeze3A = vector.extract %slice3A[0] : i32 from vector<1xi32>
      %get3A_63 = arith.index_cast %while3A_60 : i32 to index
      %get3A_64 = tpu.vector_load %arg19[%get3A_63] {strides = array<i32>} : memref<80xf32, #tpu.memory_space<vmem>>, vector<16xf32>,
      %slice3A_65 = vector.extract_strided_slice %get3A_64 {offsets = [0], sizes = [1], strides = [1]} : vector<16xf32> to vector<1xf32>
      %squeeze3A_66 = vector.extract %slice3A_65[0] : f32 from vector<1xf32>
      %gather3A = tpu.vector_load_idx %arg21[%broadcast_in_dim3A_61, %iota3A] : memref<64x32xf32, #tpu.memory_space<vmem>>[vector<16xi32>, vector<16xi32>], vector<16xf32>,
      %add3A_67 = arith.constant 16 : i32
      %add3A_68 = vector.broadcast %add3A_67 : i32 to vector<16xi32>
      %add3A_69 = arith.addi %iota3A, %add3A_68 : vector<16xi32>
      %gather3A_70 = tpu.vector_load_idx %arg21[%broadcast_in_dim3A_61, %add3A_69] : memref<64x32xf32, #tpu.memory_space<vmem>>[vector<16xi32>, vector<16xi32>], vector<16xf32>,
      %gather3A_71 = tpu.vector_load_idx %arg22[%broadcast_in_dim3A_61, %iota3A] : memref<64x32xf32, #tpu.memory_space<vmem>>[vector<16xi32>, vector<16xi32>], vector<16xf32>,
      %add3A_72 = arith.constant 16 : i32
      %add3A_73 = vector.broadcast %add3A_72 : i32 to vector<16xi32>
      %add3A_74 = arith.addi %iota3A, %add3A_73 : vector<16xi32>
      %gather3A_75 = tpu.vector_load_idx %arg22[%broadcast_in_dim3A_61, %add3A_74] : memref<64x32xf32, #tpu.memory_space<vmem>>[vector<16xi32>, vector<16xi32>], vector<16xf32>,
      %sub3A = arith.subf %gather3A, %gather3A_71 : vector<16xf32>
      %max3A = arith.constant 0.000000e+00 : f32
      %max3A_76 = vector.broadcast %max3A : f32 to vector<16xf32>
      %max3A_77 = arith.maximumf %sub3A, %max3A_76 : vector<16xf32>
      %mul3A_78 = vector.broadcast %squeeze3A_66 : f32 to vector<16xf32>
      %mul3A_79 = arith.mulf %mul3A_78, %max3A_77 : vector<16xf32>
      %sub3A_80 = arith.subf %gather3A_70, %gather3A_75 : vector<16xf32>
      %max3A_81 = arith.constant 0.000000e+00 : f32
      %max3A_82 = vector.broadcast %max3A_81 : f32 to vector<16xf32>
      %max3A_83 = arith.maximumf %sub3A_80, %max3A_82 : vector<16xf32>
      %mul3A_84 = vector.broadcast %squeeze3A_66 : f32 to vector<16xf32>
      %mul3A_85 = arith.mulf %mul3A_84, %max3A_83 : vector<16xf32>
      %mul3A_86 = arith.constant 32 : i32
      %mul3A_87 = arith.muli %squeeze3A, %mul3A_86 : i32
      %get3A_88 = arith.index_cast %mul3A_87 : i32 to index
      %get3A_89 = tpu.vector_load %arg9[%get3A_88] {strides = array<i32>} : memref<100352xf32, #tpu.memory_space<vmem>>, vector<16xf32>,
      %max3A_90 = arith.maximumf %get3A_89, %mul3A_79 : vector<16xf32>
      %swap3A_91 = arith.index_cast %mul3A_87 : i32 to index
      %swap3A_92 = tpu.vector_load %arg9[%swap3A_91] {strides = array<i32>} : memref<100352xf32, #tpu.memory_space<vmem>>, vector<16xf32>,
      tpu.vector_store %arg9[%swap3A_91], %max3A_90 {strides = array<i32>} : memref<100352xf32, #tpu.memory_space<vmem>>, vector<16xf32>,
      %add3A_93 = arith.constant 16 : i32
      %add3A_94 = arith.addi %mul3A_87, %add3A_93 : i32
      %get3A_95 = arith.index_cast %add3A_94 : i32 to index
      %get3A_96 = tpu.vector_load %arg9[%get3A_95] {strides = array<i32>} : memref<100352xf32, #tpu.memory_space<vmem>>, vector<16xf32>,
      %max3A_97 = arith.maximumf %get3A_96, %mul3A_85 : vector<16xf32>
      %add3A_98 = arith.constant 16 : i32
      %add3A_99 = arith.addi %mul3A_87, %add3A_98 : i32
      %swap3A_100 = arith.index_cast %add3A_99 : i32 to index
      %swap3A_101 = tpu.vector_load %arg9[%swap3A_100] {strides = array<i32>} : memref<100352xf32, #tpu.memory_space<vmem>>, vector<16xf32>,
      tpu.vector_store %arg9[%swap3A_100], %max3A_97 {strides = array<i32>} : memref<100352xf32, #tpu.memory_space<vmem>>, vector<16xf32>,
    }
    %while3A_47 = arith.constant 1 : i32
    scf.for %while3A_60 = %while3A_45 to %while3A_41 step %while3A_47  : i32 {
      %iota3A = tpu.iota {dimensions = array<i32: 0>} : vector<16xi32>
      %broadcast_in_dim3A_61 = vector.broadcast %while3A_60 : i32 to vector<16xi32>
      %get3A = arith.index_cast %while3A_60 : i32 to index
      %get3A_62 = tpu.vector_load %arg20[%get3A] {strides = array<i32>} : memref<80xi32, #tpu.memory_space<vmem>>, vector<16xi32>,
      %slice3A = vector.extract_strided_slice %get3A_62 {offsets = [0], sizes = [1], strides = [1]} : vector<16xi32> to vector<1xi32>
      %squeeze3A = vector.extract %slice3A[0] : i32 from vector<1xi32>
      %get3A_63 = arith.index_cast %while3A_60 : i32 to index
      %get3A_64 = tpu.vector_load %arg19[%get3A_63] {strides = array<i32>} : memref<80xf32, #tpu.memory_space<vmem>>, vector<16xf32>,
      %slice3A_65 = vector.extract_strided_slice %get3A_64 {offsets = [0], sizes = [1], strides = [1]} : vector<16xf32> to vector<1xf32>
      %squeeze3A_66 = vector.extract %slice3A_65[0] : f32 from vector<1xf32>
      %gather3A = tpu.vector_load_idx %arg21[%broadcast_in_dim3A_61, %iota3A] : memref<64x32xf32, #tpu.memory_space<vmem>>[vector<16xi32>, vector<16xi32>], vector<16xf32>,
      %add3A_67 = arith.constant 16 : i32
      %add3A_68 = vector.broadcast %add3A_67 : i32 to vector<16xi32>
      %add3A_69 = arith.addi %iota3A, %add3A_68 : vector<16xi32>
      %gather3A_70 = tpu.vector_load_idx %arg21[%broadcast_in_dim3A_61, %add3A_69] : memref<64x32xf32, #tpu.memory_space<vmem>>[vector<16xi32>, vector<16xi32>], vector<16xf32>,
      %gather3A_71 = tpu.vector_load_idx %arg22[%broadcast_in_dim3A_61, %iota3A] : memref<64x32xf32, #tpu.memory_space<vmem>>[vector<16xi32>, vector<16xi32>], vector<16xf32>,
      %add3A_72 = arith.constant 16 : i32
      %add3A_73 = vector.broadcast %add3A_72 : i32 to vector<16xi32>
      %add3A_74 = arith.addi %iota3A, %add3A_73 : vector<16xi32>
      %gather3A_75 = tpu.vector_load_idx %arg22[%broadcast_in_dim3A_61, %add3A_74] : memref<64x32xf32, #tpu.memory_space<vmem>>[vector<16xi32>, vector<16xi32>], vector<16xf32>,
      %sub3A = arith.subf %gather3A, %gather3A_71 : vector<16xf32>
      %max3A = arith.constant 0.000000e+00 : f32
      %max3A_76 = vector.broadcast %max3A : f32 to vector<16xf32>
      %max3A_77 = arith.maximumf %sub3A, %max3A_76 : vector<16xf32>
      %mul3A_78 = vector.broadcast %squeeze3A_66 : f32 to vector<16xf32>
      %mul3A_79 = arith.mulf %mul3A_78, %max3A_77 : vector<16xf32>
      %sub3A_80 = arith.subf %gather3A_70, %gather3A_75 : vector<16xf32>
      %max3A_81 = arith.constant 0.000000e+00 : f32
      %max3A_82 = vector.broadcast %max3A_81 : f32 to vector<16xf32>
      %max3A_83 = arith.maximumf %sub3A_80, %max3A_82 : vector<16xf32>
      %mul3A_84 = vector.broadcast %squeeze3A_66 : f32 to vector<16xf32>
      %mul3A_85 = arith.mulf %mul3A_84, %max3A_83 : vector<16xf32>
      %mul3A_86 = arith.constant 32 : i32
      %mul3A_87 = arith.muli %squeeze3A, %mul3A_86 : i32
      %get3A_88 = arith.index_cast %mul3A_87 : i32 to index
      %get3A_89 = tpu.vector_load %arg9[%get3A_88] {strides = array<i32>} : memref<100352xf32, #tpu.memory_space<vmem>>, vector<16xf32>,
      %max3A_90 = arith.maximumf %get3A_89, %mul3A_79 : vector<16xf32>
      %swap3A_91 = arith.index_cast %mul3A_87 : i32 to index
      %swap3A_92 = tpu.vector_load %arg9[%swap3A_91] {strides = array<i32>} : memref<100352xf32, #tpu.memory_space<vmem>>, vector<16xf32>,
      tpu.vector_store %arg9[%swap3A_91], %max3A_90 {strides = array<i32>} : memref<100352xf32, #tpu.memory_space<vmem>>, vector<16xf32>,
      %add3A_93 = arith.constant 16 : i32
      %add3A_94 = arith.addi %mul3A_87, %add3A_93 : i32
      %get3A_95 = arith.index_cast %add3A_94 : i32 to index
      %get3A_96 = tpu.vector_load %arg9[%get3A_95] {strides = array<i32>} : memref<100352xf32, #tpu.memory_space<vmem>>, vector<16xf32>,
      %max3A_97 = arith.maximumf %get3A_96, %mul3A_85 : vector<16xf32>
      %add3A_98 = arith.constant 16 : i32
      %add3A_99 = arith.addi %mul3A_87, %add3A_98 : i32
      %swap3A_100 = arith.index_cast %add3A_99 : i32 to index
      %swap3A_101 = tpu.vector_load %arg9[%swap3A_100] {strides = array<i32>} : memref<100352xf32, #tpu.memory_space<vmem>>, vector<16xf32>,
      tpu.vector_store %arg9[%swap3A_100], %max3A_97 {strides = array<i32>} : memref<100352xf32, #tpu.memory_space<vmem>>, vector<16xf32>,
    }
    %scan3A_48 = arith.constant 0 : i32
    %scan3A_49 = arith.constant 0 : i32
    %scan3A_50 = arith.constant 196 : i32
    %scan3A_51 = arith.addi %scan3A_49, %scan3A_50 : i32
    %scan3A_52 = arith.constant 1 : i32
    scf.for %scan3A_60 = %scan3A_49 to %scan3A_51 step %scan3A_52  : i32 {
      %mul3A_61 = arith.constant 16 : i32
      %mul3A_62 = arith.muli %scan3A_60, %mul3A_61 : i32
      %get3A = arith.index_cast %mul3A_62 : i32 to index
      %get3A_63 = tpu.vector_load %arg10[%get3A] {strides = array<i32>} : memref<3152xf32, #tpu.memory_space<vmem>>, vector<16xf32>,
      %max3A = arith.constant 9.99999968E-21 : f32
      %max3A_64 = vector.broadcast %max3A : f32 to vector<16xf32>
      %max3A_65 = arith.maximumf %get3A_63, %max3A_64 : vector<16xf32>
      %div3A = arith.constant 1.000000e+00 : f32
      %div3A_66 = vector.broadcast %div3A : f32 to vector<16xf32>
      %div3A_67 = arith.divf %div3A_66, %max3A_65 : vector<16xf32>
      %mul3A_68 = arith.constant 16 : i32
      %mul3A_69 = arith.muli %scan3A_60, %mul3A_68 : i32
      %swap3A_70 = arith.index_cast %mul3A_69 : i32 to index
      %swap3A_71 = tpu.vector_load %arg10[%swap3A_70] {strides = array<i32>} : memref<3152xf32, #tpu.memory_space<vmem>>, vector<16xf32>,
      tpu.vector_store %arg10[%swap3A_70], %div3A_67 {strides = array<i32>} : memref<3152xf32, #tpu.memory_space<vmem>>, vector<16xf32>,
    }
    %scan3A_53 = arith.constant 196 : i32
    %scan3A_54 = arith.constant 0 : i32
    %scan3A_55 = arith.constant 0 : i32
    %scan3A_56 = arith.constant 28 : i32
    %scan3A_57 = arith.addi %scan3A_55, %scan3A_56 : i32
    %scan3A_58 = arith.constant 1 : i32
    scf.for %scan3A_60 = %scan3A_55 to %scan3A_57 step %scan3A_58  : i32 {
      %mul3A_61 = arith.constant 112 : i32
      %mul3A_62 = arith.muli %scan3A_60, %mul3A_61 : i32
      %add3A_63 = arith.addi %mul3A_2, %mul3A_62 : i32
      %mul3A_64 = arith.constant 32 : i32
      %mul3A_65 = arith.muli %add3A_63, %mul3A_64 : i32
      "tpu.region"() ({
        %run_scoped3A = tpu.sem_alloc : memref<!tpu.dma_semaphore, #tpu.memory_space<semaphore_mem>>
        %dma_start3A_78 = tpu.memref_slice %arg6[%mul3A_65] : memref<3211264xf32, #tpu.memory_space<hbm>> -> memref<3584xf32, #tpu.memory_space<hbm>>
        %dma_start3A_79 = tpu.memref_slice %arg6[%mul3A_65] : memref<3211264xf32, #tpu.memory_space<hbm>> -> memref<3584xf32, #tpu.memory_space<hbm>>
        tpu.enqueue_dma source(%dma_start3A_79 : memref<3584xf32, #tpu.memory_space<hbm>>) target(%arg23 : memref<3584xf32, #tpu.memory_space<vmem>>) target_semaphore(%run_scoped3A : memref<!tpu.dma_semaphore, #tpu.memory_space<semaphore_mem>>)
        %dma_wait3A_80 = tpu.memref_slice %arg6[%mul3A_65] : memref<3211264xf32, #tpu.memory_space<hbm>> -> memref<3584xf32, #tpu.memory_space<hbm>>
        %dma_wait3A_81 = tpu.memref_slice %arg6[%mul3A_65] : memref<3211264xf32, #tpu.memory_space<hbm>> -> memref<3584xf32, #tpu.memory_space<hbm>>
        tpu.wait_dma2 semaphore(%run_scoped3A : memref<!tpu.dma_semaphore, #tpu.memory_space<semaphore_mem>>) src(%dma_wait3A_81 : memref<3584xf32, #tpu.memory_space<hbm>>) dst(%arg23 : memref<3584xf32, #tpu.memory_space<vmem>>)
        tpu.yield
      }) : () -> ()
      %scan3A_66 = arith.constant 0 : i32
      %scan3A_67 = arith.constant 0 : i32
      %scan3A_68 = arith.constant 7 : i32
      %scan3A_69 = arith.addi %scan3A_67, %scan3A_68 : i32
      %scan3A_70 = arith.constant 1 : i32
      scf.for %scan3A_78 = %scan3A_67 to %scan3A_69 step %scan3A_70  : i32 {
        %iota3A = tpu.iota {dimensions = array<i32: 0>} : vector<16xi32>
        %add3A_79 = arith.addi %mul3A_2, %mul3A_62 : i32
        %mul3A_80 = arith.constant 16 : i32
        %mul3A_81 = arith.muli %scan3A_78, %mul3A_80 : i32
        %add3A_82 = arith.addi %add3A_79, %mul3A_81 : i32
        %add3A_83 = vector.broadcast %add3A_82 : i32 to vector<16xi32>
        %add3A_84 = arith.addi %iota3A, %add3A_83 : vector<16xi32>
        %mul3A_85 = arith.constant 16 : i32
        %mul3A_86 = arith.muli %scan3A_78, %mul3A_85 : i32
        %swap3A_87 = arith.index_cast %mul3A_86 : i32 to index
        %swap3A_88 = tpu.vector_load %arg25[%swap3A_87] {strides = array<i32>} : memref<112xi32, #tpu.memory_space<vmem>>, vector<16xi32>,
        tpu.vector_store %arg25[%swap3A_87], %add3A_84 {strides = array<i32>} : memref<112xi32, #tpu.memory_space<vmem>>, vector<16xi32>,
      }
      %scan3A_71 = arith.constant 7 : i32
      %scan3A_72 = arith.constant 0 : i32
      %scan3A_73 = arith.constant 0 : i32
      %scan3A_74 = arith.constant 112 : i32
      %scan3A_75 = arith.addi %scan3A_73, %scan3A_74 : i32
      %scan3A_76 = arith.constant 1 : i32
      scf.for %scan3A_78 = %scan3A_73 to %scan3A_75 step %scan3A_76  : i32 {
        %add3A_79 = arith.addi %mul3A_62, %scan3A_78 : i32
        %get3A = arith.index_cast %add3A_79 : i32 to index
        %get3A_80 = tpu.vector_load %arg10[%get3A] {strides = array<i32>} : memref<3152xf32, #tpu.memory_space<vmem>>, vector<16xf32>,
        %slice3A = vector.extract_strided_slice %get3A_80 {offsets = [0], sizes = [1], strides = [1]} : vector<16xf32> to vector<1xf32>
        %squeeze3A = vector.extract %slice3A[0] : f32 from vector<1xf32>
        %add3A_81 = arith.addi %mul3A_62, %scan3A_78 : i32
        %mul3A_82 = arith.constant 32 : i32
        %mul3A_83 = arith.muli %add3A_81, %mul3A_82 : i32
        %get3A_84 = arith.index_cast %mul3A_83 : i32 to index
        %get3A_85 = tpu.vector_load %arg9[%get3A_84] {strides = array<i32>} : memref<100352xf32, #tpu.memory_space<vmem>>, vector<16xf32>,
        %mul3A_86 = arith.constant 32 : i32
        %mul3A_87 = arith.muli %scan3A_78, %mul3A_86 : i32
        %get3A_88 = arith.index_cast %mul3A_87 : i32 to index
        %get3A_89 = tpu.vector_load %arg23[%get3A_88] {strides = array<i32>} : memref<3584xf32, #tpu.memory_space<vmem>>, vector<16xf32>,
        %add3A_90 = arith.addi %mul3A_62, %scan3A_78 : i32
        %mul3A_91 = arith.constant 32 : i32
        %mul3A_92 = arith.muli %add3A_90, %mul3A_91 : i32
        %add3A_93 = arith.constant 16 : i32
        %add3A_94 = arith.addi %mul3A_92, %add3A_93 : i32
        %get3A_95 = arith.index_cast %add3A_94 : i32 to index
        %get3A_96 = tpu.vector_load %arg9[%get3A_95] {strides = array<i32>} : memref<100352xf32, #tpu.memory_space<vmem>>, vector<16xf32>,
        %mul3A_97 = arith.constant 32 : i32
        %mul3A_98 = arith.muli %scan3A_78, %mul3A_97 : i32
        %add3A_99 = arith.constant 16 : i32
        %add3A_100 = arith.addi %mul3A_98, %add3A_99 : i32
        %get3A_101 = arith.index_cast %add3A_100 : i32 to index
        %get3A_102 = tpu.vector_load %arg23[%get3A_101] {strides = array<i32>} : memref<3584xf32, #tpu.memory_space<vmem>>, vector<16xf32>,
        %mul3A_103 = vector.broadcast %squeeze3A : f32 to vector<16xf32>
        %mul3A_104 = arith.mulf %get3A_85, %mul3A_103 : vector<16xf32>
        %sub3A = arith.constant 1.000000e+00 : f32
        %sub3A_105 = vector.broadcast %sub3A : f32 to vector<16xf32>
        %sub3A_106 = arith.subf %sub3A_105, %mul3A_104 : vector<16xf32>
        %mul3A_107 = arith.mulf %sub3A_106, %get3A_89 : vector<16xf32>
        %swap3A_108 = arith.index_cast %scan3A_78 : i32 to index
        %swap3A_109 = arith.constant 0 : index
        %swap3A_110 = tpu.vector_load %arg24[%swap3A_108, %swap3A_109] {strides = array<i32>} : memref<112x32xf32, #tpu.memory_space<vmem>>, vector<16xf32>,
        tpu.vector_store %arg24[%swap3A_108, %swap3A_109], %mul3A_107 {strides = array<i32>} : memref<112x32xf32, #tpu.memory_space<vmem>>, vector<16xf32>,
        %mul3A_111 = vector.broadcast %squeeze3A : f32 to vector<16xf32>
        %mul3A_112 = arith.mulf %get3A_96, %mul3A_111 : vector<16xf32>
        %sub3A_113 = arith.constant 1.000000e+00 : f32
        %sub3A_114 = vector.broadcast %sub3A_113 : f32 to vector<16xf32>
        %sub3A_115 = arith.subf %sub3A_114, %mul3A_112 : vector<16xf32>
        %mul3A_116 = arith.mulf %sub3A_115, %get3A_102 : vector<16xf32>
        %swap3A_117 = arith.index_cast %scan3A_78 : i32 to index
        %swap3A_118 = arith.constant 16 : index
        %swap3A_119 = tpu.vector_load %arg24[%swap3A_117, %swap3A_118] {strides = array<i32>} : memref<112x32xf32, #tpu.memory_space<vmem>>, vector<16xf32>,
        tpu.vector_store %arg24[%swap3A_117, %swap3A_118], %mul3A_116 {strides = array<i32>} : memref<112x32xf32, #tpu.memory_space<vmem>>, vector<16xf32>,
      }
      %scan3A_77 = arith.constant 112 : i32
      "tpu.region"() ({
        %run_scoped3A = tpu.sem_alloc : memref<!tpu.dma_semaphore, #tpu.memory_space<semaphore_mem>>
        %dma_start3A_78 = arith.constant 0 : i32
        %dma_start3A_79 = arith.constant 0 : i32
        %dma_start3A_80 = tpu.memref_slice %arg8[%dma_start3A_78, %dma_start3A_79] : memref<100352x32xf32, #tpu.memory_space<hbm>> -> memref<100352x32xf32, #tpu.memory_space<hbm>>
        tpu.enqueue_indirect_dma source(%arg24 : memref<112x32xf32, #tpu.memory_space<vmem>>) target(%dma_start3A_80 : memref<100352x32xf32, #tpu.memory_space<hbm>>) offsets(%arg25 : memref<112xi32, #tpu.memory_space<vmem>>) semaphore(%run_scoped3A : memref<!tpu.dma_semaphore, #tpu.memory_space<semaphore_mem>>)
        %dma_wait3A_81 = arith.constant 0 : i32
        %dma_wait3A_82 = arith.constant 0 : i32
        %dma_wait3A_83 = tpu.memref_slice %arg8[%dma_wait3A_81, %dma_wait3A_82] : memref<100352x32xf32, #tpu.memory_space<hbm>> -> memref<100352x32xf32, #tpu.memory_space<hbm>>
        tpu.wait_indirect_dma semaphore(%run_scoped3A : memref<!tpu.dma_semaphore, #tpu.memory_space<semaphore_mem>>) src(%arg24 : memref<112x32xf32, #tpu.memory_space<vmem>>) dst(%dma_wait3A_83 : memref<100352x32xf32, #tpu.memory_space<hbm>>)
        tpu.yield
      }) : () -> ()
    }
    %scan3A_59 = arith.constant 28 : i32
    return
  }
}

</mosaic_0001>

<sc_bundles>
// kernel: kernel.3.cloned.1.call-start
scs
__scs_entry_jumppad:
0x0: {  	(pc) =	sbr.rel $0x88, $3  }
0x1: {  	(tag) =	ssettag $0x0;
	lr =	simm.s32 $0x1  }
0x2: {  	[smem:$0x3F9D] =	sst lr;
	_ =	strace $0xD0000000  }
0x3: {  	_ = 	snop  }
0x4: {  	_ = 	snop  }
0x5: {  	_ = 	snop  }
0x6: {  	_ = 	snop  }
0x7: {  	_ = 	snop  }
__scs_overlays_trampoline_lowered:
0x8: {  	[smem:$0x3FAC] =	sst s0  }
0x9: {  	[smem:$0x3FAD] =	sst s1  }
0xa: {  	[smem:$0x3FAE] =	sst s2  }
0xb: {  	[smem:$0x3FAF] =	sst s3  }
0xc: {  	[smem:$0x3FB0] =	sst s4  }
0xd: {  	[smem:$0x3FB1] =	sst s5  }
0xe: {  	[smem:$0x3FB2] =	sst s6  }
0xf: {  	[smem:$0x3FB3] =	sst s7  }
0x10: {  	[smem:$0x3FB4] =	sst s8  }
0x11: {  	[smem:$0x3FB5] =	sst s9;
	s0 =	simm.s32 @!p0 $0x0  }
0x12: {  	s1 =	sld [smem:$0x3F9B];
	s0 =	simm.s32 @p0 $0x1  }
0x13: {  	[smem:$0x3FB6] =	sst s0;
	s0 =	simm.s32 @!p1 $0x0  }
0x14: {  	s2 =	sld [smem:$0x3F9A];
	s0 =	simm.s32 @p1 $0x1  }
0x15: {  	[smem:$0x3FB7] =	sst s0;
	s0 =	simm.s32 @!p2 $0x0  }
0x16: {  	s3 =	sld [smem:$0x3FDB];
	s0 =	simm.s32 @p2 $0x1  }
0x17: {  	s4 =	simm.s32 $0x1BF5;
	[smem:$0x3FB9] =	sst s0  }
0x18: {  	s0 =	sld [smem:$0x3F9C];
	_ =	swait.ge [sflag:s4], $0x0  }
0x19: {  	s7 =	sld [smem:$0x3F9D]  }
0x1a: {  	s8 =	sadd.s32 $0xFFFFE003, lr  }
0x1b: {  	s9 =	sadd.s32 $0xFFFFFEF7, lr;
	s5 =	simm.s32 $0xFFFFFFFF;
	p2 =	slt.u32 s8, $0xFFFFF086  }
0x1c: {  	p1 =	slt.u32 s9, $0xF7A;
	s5 =	simm.s32 @!p2 $0x0  }
0x1d: {  	s5 =	simm.s32 @p1 $0x1;
	p0 =	seq.s32 s7, s2  }
0x1e: {  	s7 =	smul.u32 @!p0 $0xF7A, s2;
	p2 =	seq.s32 @!p0 s5, $0x0  }
0x1f: {  	s9 =	smul.u32 $0xF7A, s1;
	s8 =	simm.s32 @!p0 $0x1BF5;
	p2 =	por !p2, p0  }
0x20: {  	[sflag:s8] =	ssyncset.s32 @!p0 $0xFFFFF086;
	s6 =	sadd.s32 @!p0 s3, s7;
	s7 =	simm.s32 @!p0 $0x108  }
0x21: {  	s3 =	sadd.s32 s3, s9;
	s6 =	sadd.s32 @!p0 $0x88, s6;
	s7 =	simm.s32 @p2 $0x1082  }
0x22: {  	[simem:s7], [sflag:s8] =	dma.local @!p0 [hbm:s6], $0xF7A  }
0x23: {  	s9 =	sor.u32 $0xD0000000, s2;
	s6 =	simm.s32 $0x108;
	_ =	swait.ge @!p0 [sflag:s8], $0x0  }
0x24: {  	s3 =	sadd.s32 $0x88, s3;
	s6 =	simm.s32 @!p1 $0x1082;
	[sflag:s4] =	ssyncset.s32 $0xFFFFF086  }
0x25: {  	[simem:s6], [sflag:s4] =	dma.local [hbm:s3], $0xF7A  }
0x26: {  	[smem:$0x3F9D] =	sst s1;
	(tag) =	ssettag s2;
	_ =	strace s9  }
0x27: {  	s1 =	sld [smem:$0x3FAD]  }
0x28: {  	s2 =	sld [smem:$0x3FAE]  }
0x29: {  	s4 =	sld [smem:$0x3FB0]  }
0x2a: {  	p0 =	seq.s32 s5, $0x0;
	s5 =	sld [smem:$0x3FB1]  }
0x2b: {  	s6 =	sld [smem:$0x3FB2]  }
0x2c: {  	s7 =	sld [smem:$0x3FB3]  }
0x2d: {  	s3 =	simm.s32 $0x108;
	s8 =	sld [smem:$0x3FB4]  }
0x2e: {  	s3 =	simm.s32 @!p0 $0x1082;
	s9 =	sld [smem:$0x3FB5]  }
0x2f: {  	lr =	sadd.s32 s0, s3;
	s0 =	sld [smem:$0x3FAC]  }
0x30: {  	s3 =	sld [smem:$0x3FAF]  }
0x31: {  	[smem:$0x3FB8] =	sst s10  }
0x32: {  	s10 =	sld [smem:$0x3FB6];
	_ =	sdelay $0x3  }
0x33: {  	p0 =	seq.s32 s10, $0x1;
	s10 =	sld [smem:$0x3FB8];
	_ =	sdelay $0x3  }
0x34: {  	[smem:$0x3FB8] =	sst s10  }
0x35: {  	s10 =	sld [smem:$0x3FB7];
	_ =	sdelay $0x3  }
0x36: {  	p1 =	seq.s32 s10, $0x1;
	s10 =	sld [smem:$0x3FB8];
	_ =	sdelay $0x3  }
0x37: {  	[smem:$0x3FB8] =	sst s10  }
0x38: {  	s10 =	sld [smem:$0x3FB9]  }
0x39: {  	_ = 	snop;
	(pc) =	sbr.ind lr, $3  }
0x3a: {  	_ = 	snop  }
0x3b: {  	_ = 	snop  }
0x3c: {  	p2 =	seq.s32 s10, $0x1;
	s10 =	sld [smem:$0x3FB8]  }
0x3d: {  	_ =	shalt  }
0x3e: {  	_ =	shalt  }
0x3f: {  	_ =	shalt  }
0x40: {  	_ =	shalt  }
0x41: {  	_ =	shalt  }
0x42: {  	_ =	shalt  }
0x43: {  	_ =	shalt  }
0x44: {  	_ =	shalt  }
0x45: {  	_ =	shalt  }
0x46: {  	_ =	shalt  }
0x47: {  	_ =	shalt  }
0x48: {  	_ =	shalt  }
0x49: {  	_ =	shalt  }
0x4a: {  	_ =	shalt  }
0x4b: {  	_ =	shalt  }
0x4c: {  	_ =	shalt  }
0x4d: {  	_ =	shalt  }
0x4e: {  	_ =	shalt  }
0x4f: {  	_ =	shalt  }
0x50: {  	_ =	shalt  }
0x51: {  	_ =	shalt  }
0x52: {  	_ =	shalt  }
0x53: {  	_ =	shalt  }
0x54: {  	_ =	shalt  }
0x55: {  	_ =	shalt  }
0x56: {  	_ =	shalt  }
0x57: {  	_ =	shalt  }
0x58: {  	_ =	shalt  }
0x59: {  	_ =	shalt  }
0x5a: {  	_ =	shalt  }
0x5b: {  	_ =	shalt  }
0x5c: {  	_ =	shalt  }
0x5d: {  	_ =	shalt  }
0x5e: {  	_ =	shalt  }
0x5f: {  	_ =	shalt  }
0x60: {  	_ =	shalt  }
0x61: {  	_ =	shalt  }
0x62: {  	_ =	shalt  }
0x63: {  	_ =	shalt  }
0x64: {  	_ =	shalt  }
0x65: {  	_ =	shalt  }
0x66: {  	_ =	shalt  }
0x67: {  	_ =	shalt  }
0x68: {  	_ =	shalt  }
0x69: {  	_ =	shalt  }
0x6a: {  	_ =	shalt  }
0x6b: {  	_ =	shalt  }
0x6c: {  	_ =	shalt  }
0x6d: {  	_ =	shalt  }
0x6e: {  	_ =	shalt  }
0x6f: {  	_ =	shalt  }
0x70: {  	_ =	shalt  }
0x71: {  	_ =	shalt  }
0x72: {  	_ =	shalt  }
0x73: {  	_ =	shalt  }
0x74: {  	_ =	shalt  }
0x75: {  	_ =	shalt  }
0x76: {  	_ =	shalt  }
0x77: {  	_ =	shalt  }
0x78: {  	_ =	shalt  }
0x79: {  	_ =	shalt  }
0x7a: {  	_ =	shalt  }
0x7b: {  	_ =	shalt  }
0x7c: {  	_ =	shalt  }
0x7d: {  	_ =	shalt  }
0x7e: {  	_ =	shalt  }
0x7f: {  	_ =	shalt  }
0x80: {  	_ =	shalt  }
0x81: {  	_ =	shalt  }
0x82: {  	_ =	shalt  }
0x83: {  	_ =	shalt  }
0x84: {  	_ =	shalt  }
0x85: {  	_ =	shalt  }
0x86: {  	_ =	shalt  }
0x87: {  	_ =	shalt  }
.Lfunc_end0:
.L_simem_size_0:
called_computation_lowered:
.L_overlay_start_0:
0x88: {  	s2 =	sld [smem:$0x3FD9]  }
0x89: {  	s3 =	sld [smem:$0x3FFE];
	_ =	sdelay $0x1  }
0x8a: {  	s1 =	srdreg.scid  }
0x8b: {  	s0 =	sand.u32 $0x1, s1  }
0x8c: {  	s17 =	sshll.u32 s0, $0xA;
	s2 =	sadd.s32 s3, s2  }
0x8d: {  	s2 =	sadd.s32 s2, s17  }
0x8e: {  	[smem:$0x3FC4] =	sst s2  }
0x8f: {  	_ = 	snop  }
0x90: {  	s2 =	sld [smem:$0x3FC7]  }
0x91: {  	s18 =	sld [smem:$0x3FD0];
	(tm) =	ssettm $0x1  }
0x92: {  	s4 =	sld [smem:$0x3FFB];
	_ =	sdelay $0x3  }
0x93: {  	_ =	strace s4  }
0x94: {  	s4 =	sld [smem:$0x3FFC];
	_ =	sdelay $0x3  }
0x95: {  	_ =	strace s4  }
0x96: {  	s4 =	sld [smem:$0x3FFD];
	_ =	sdelay $0x3  }
0x97: {  	_ =	strace s4  }
0x98: {  	_ =	strace $0x8FFFFFFF  }
0x99: {  	s19 =	sld [smem:$0x3FDB];
	_ =	sdelay $0x1  }
0x9a: {  	s5 =	simm.s32 $_scs_section_size  }
0x9b: {  	s6 =	simm.s32 $_size__tile_overlayer_lowered;
	s7 =	simm.s32 $_tile_overlayer_lowered  }
0x9c: {  	s22 =	simm.s32 $0x1BFF;
	s21 =	sshll.u32 s7, $0x1;
	s4 =	sadd.s32 s5, s19  }
0x9d: {  	s8 =	simm.s32 $0x0;
	s20 =	sshll.u32 s6, $0x1;
	s6 =	sadd.s32 s21, s4  }
0x9e: {  	[timem:s8], [sflag:s22] =	dma.local [hbm:s6], s20  }
0x9f: {  	_ =	swait.ge [sflag:s22], s20  }
0xa0: {  	s5 =	ssub.s32 $0x0, s20;
	[sflag:s22] =	ssyncset.done $0x0  }
0xa1: {  	[sflag:s22] =	ssyncadd.s32 s5;
	_ =	sdelay $0x1  }
0xa2: {  	s23 =	simm.s32 $0x1B8B  }
0xa3: {  	_ =	swait.ge [sflag:s23], $0x1  }
0xa4: {  	[sflag:s23] =	ssyncset.done $0x0  }
0xa5: {  	s25 =	simm.s32 $0x1B8E;
	s24 =	sld [smem:$0x3FFE];
	[sflag:s23] =	ssyncadd.s32 $0xFFFFFFFF  }
0xa6: {  	s26 =	simm.s32 $execute0_lowered;
	[smem:$0x3FD2] =	sst s25  }
0xa7: {  	s6 =	sshll.u32 s26, $0x1;
	_ =	strace $0x80000046;
	[dreg:$0x1] =	wrdreg $0xFFFFFFFF  }
0xa8: {  	s28 =	simm.s32 $_size_execute0_lowered;
	s4 =	sadd.s32 s4, s6;
	[dreg:$0x0] =	wrdreg $0x0  }
0xa9: {  	s6 =	sshll.u32 s28, $0x1;
	[dreg:$0x2] =	wrdreg s4  }
0xaa: {  	[dreg:$0x3] =	wrdreg s6  }
0xab: {  	[dreg:$0x4] =	wrdreg $0xC0  }
0xac: {  	_ =	task [dreg:s8], $0x5FFFF  }
0xad: {  	[dreg:$0x1] =	wrdreg $0xFFFFFFFF  }
0xae: {  	[dreg:$0x0] =	wrdreg $0x60  }
0xaf: {  	[dreg:$0x2] =	wrdreg s18  }
0xb0: {  	[dreg:$0x3] =	wrdreg s24  }
0xb1: {  	[dreg:$0x4] =	wrdreg s2  }
0xb2: {  	[dreg:$0x5] =	wrdreg $0x9  }
0xb3: {  	_ =	task.clear_ibuf [dreg:s8], $0x6FFFF;
	_ =	strace $0x90000046  }
0xb4: {  	s29 =	simm.s32 $0x9;
	_ =	strace $0x80000048  }
0xb5: {  	_ =	swait.ge [sflag:s29], $0x1  }
0xb6: {  	[sflag:s29] =	ssyncadd.s32 $0xFFFFFFFF  }
0xb7: {  	_ =	strace $0x90000048  }
0xb8: {  	_ =	sfence  }
0xb9: {  	s30 =	sld [smem:$0x0];
	_ =	sdelay $0x2  }
0xba: {  	s31 =	sshll.u32 s1, $0xD;
	s1 =	sshrl.u32 s1, $0x2  }
0xbb: {  	s3 =	sand.u32 $0x4000, s31;
	s1 =	sadd.s32 s1, s30  }
0xbc: {  	s0 =	sor.u32 s3, s0;
	s1 =	sshll.u32 s1, $0x11  }
0xbd: {  	s0 =	sor.u32 s1, s0  }
0xbe: {  	s0 =	sadd.s32 $0x8F2B, s0  }
0xbf: {  	[sflag:s0] =	ssyncadd.remote.s32 $0x1  }
0xc0: {  	_ =	sfence.sel $0xFFFF  }
0xc1: {  	[dreg:$0x0] =	wrdreg $0xFFFFFFFF;
	(pc) =	sbr.abs _section_cstart, $3  }
0xc2: {  	[dreg:$0x1] =	wrdreg $0xFFFFFFFF  }
0xc3: {  	_ =	task.clear_ibuf [dreg:s8], $0x2FFFF;
	_ =	strace $0x9FFFFFFF  }
0xc4: {  	(tm) =	ssettm $0x7FFFFFFF  }
0xc5: {  	_ =	shalt  }
tec
execute0_lowered:
.L_overlay_start_1:
0x0: {  	(tag) =	ssettag $0x1  }
0x1: {  	s1 =	rddreg [dreg:$0x0]  }
0x2: {  	s0 =	rddreg [dreg:$0x1]  }
0x3: {  	s2 =	simm.s32 $0x0;
	s23 =	srdreg.scid;
	s4 =	stileid.u32  }
0x4: {  	s12 =	simm.s32 $0x4;
	s13 =	simm.s32 $0x18800;
	s17 =	simm.s32 $0x1  }
0x5: {  	s18 =	simm.s32 $0x2;
	s19 =	simm.s32 $0x3;
	s20 =	simm.s32 $0x1ABC0  }
0x6: {  	s21 =	simm.s32 $0x1B3F0;
	s22 =	simm.s32 $0x1BC20;
	s28 =	simm.s32 $0x1CD70  }
0x7: {  	[smem:$0x7FF] =	sst s2;
	s2 =	sand.u32 $0x1, s23;
	s3 =	sadd.s32 $0x32A00, s0  }
0x8: {  	s5 =	sadd.s32 $0x1C00, s0;
	s7 =	sadd.s32 $0x63800, s0;
	s26 =	sadd.s32 $0xC5800, s0  }
0x9: {  	s10 =	sadd.s32 $0xC8A00, s0;
	_ =	strace $0x80000047;
	[dreg:$0x4] =	wrdreg s3  }
0xa: {  	s23 =	simm.s32 $0x40;
	s24 =	sshll.u32 s2, $0x4;
	[dreg:$0x5] =	wrdreg s5  }
0xb: {  	v0 =	vlaneseq.u32;
	s2 =	ssub.s32 $0x2, s2;
	[dreg:$0x7] =	wrdreg s26;
	s3 =	sor.u32 s4, s24  }
0xc: {  	v6 =	vmul.u32 $0xFFFFFFFF, v0;
	s26 =	simm.s32 $0x1C490;
	s25 =	sshrl.u32 s2, $0x1;
	s8 =	smul.u32 $0xC40, s3  }
0xd: {  	v4 =	vimm.s32 $0x0;
	v5 =	vimm.f32 $1.000000000e+00;
	[dreg:$0x6] =	wrdreg s7;
	s24 =	simm.s32 $0x1C450;
	s29 =	ssub.s32 s2, s25  }
0xe: {  	v7 =	vor.u32 $0x10, v0;
	v8 =	vor.u32 $0xFFFFFFF8, v0;
	v6 =	vadd.s32 $0x40, v6;
	s0 =	smax.u32 s29, $0x1;
	s30 =	sadd.s32 $0xC40, s8;
	s31 =	sadd.s32 $0xFFFFFFFF, s8  }
0xf: {  	s25 =	simm.s32 $0x1C570;
	s2 =	simm.s32 $0x0;
	[dreg:$0x8] =	wrdreg s0;
	v3 =	vmov s8;
	v1 =	vmov s31;
	v2 =	vmov s30  }
.LBB2_1:
0x10: {  	[dreg:$0x9] =	wrdreg s2  }
0x11: {  	s0 =	simm.s32 $0x0;
	s31 =	rddreg [dreg:$0x7]  }
0x12: {  	[tilespmem:s0], [sflag:$0x4] =	stream.linear.gather [hbm4b:s31+s0], $0x18800, $0x38;
	[tilespmem:$0x1F220] =	vst v63  }
0x13: {  	_ =	swait.ge [sflag:s12], $0x18800  }
0x14: {  	[sflag:s12] =	ssyncset.done $0x0  }
0x15: {  	[sflag:s12] =	ssyncadd.s32 $0xFFFE7800  }
0x16: {  	[tilespmem:s13], [sflag:$0x4] =	stream.linear.gather [hbm4b:s31+s0], $0xC50, $0x38;
	[tilespmem:$0x1F220] =	vst v63  }
0x17: {  	_ =	swait.ge [sflag:s12], $0xC50  }
0x18: {  	[sflag:s12] =	ssyncset.done $0x0  }
0x19: {  	[sflag:s12] =	ssyncadd.s32 $0xFFFFF3B0  }
0x1a: {  	[tilespmem:$0x1F1E0] =	vst v4  }
0x1b: {  	s2 =	simm.s32 $0x0;
	s0 =	simm.s32 $0x40;
	[tilespmem:$0x1F200] =	vst v4  }
.LBB2_2:
0x1c: {  	p0 =	sne.s32 s0, $0x2080;
	[tilespmem:s2+$0x1BC20] =	vst v5;
	s3 =	smov.u32 s0;
	s0 =	sadd.s32 $0x40, s0  }
.Ltmp0:
0x1d: {  	[tilespmem:s2+$0x1ABC0] =	vst v4;
	(pc) =	sbr.rel @p0 .LBB2_2-.Ltmp0, $2  }
0x1e: {  	[tilespmem:s2+$0x1B3F0] =	vst v4;
	_ =	sdelay $0x2  }
0x1f: {  	s2 =	sshra.s32 s3, $0x2  }
.Ltmp1:
0x20: {  	(pc) =	sbr.rel .LBB2_4-.Ltmp1, $4  }
0x21: {  	_ = 	snop  }
0x22: {  	[tilespmem:s2+$0x1BC20] =	vst v5  }
0x23: {  	[tilespmem:s2+$0x1ABC0] =	vst v4  }
0x24: {  	s3 =	simm.s32 $0x0;
	[tilespmem:s2+$0x1B3F0] =	vst v4;
	s11 =	simm.s32 $0x0  }
.LBB2_14:
0x25: {  	s14 =	simm.s32 $0x1B3F0;
	s5 =	simm.s32 $0x1BC20  }
.LBB2_18:
0x26: {  	_ =	sdelay $0x1  }
0x27: {  	s6 =	sadd.s32 @p0 $0x10, s14  }
0x28: {  	[tilespmem:s4+$0x0] =	vst v10;
	s2 =	smov.u32 @p0 s6  }
0x29: {  	v10 =	vld.idx.msk [tilespmem:v9+s2+$0x0 ss:$0x1], $0xffff;
	_ =	sdelay $0x3  }
0x2a: {  	s4 =	sadd.s32 @p0 $0x10, s5  }
0x2b: {  	s0 =	smov.u32 @p0 s4;
	[tilespmem:s2+$0x0] =	vst v10  }
0x2c: {  	v9 =	vld.idx.msk [tilespmem:v9+s0+$0x0 ss:$0x1], $0xffff;
	_ =	sdelay $0x4  }
0x2d: {  	[tilespmem:s0+$0x0] =	vst v9  }
.LBB2_19:
0x2e: {  	s11 =	sadd.s32 $0x1, s11  }
0x2f: {  	p0 =	sne.s32 s11, $0x320  }
.Ltmp2:
0x30: {  	_ = 	snop;
	(pc) =	sbr.rel @!p0 .LBB2_20-.Ltmp2, $3  }
0x31: {  	_ =	sdelay $0x1  }
0x32: {  	v9 =	vmov s9  }
0x33: {  	[tilespmem:$0x1F200] =	vst v9  }
.LBB2_4:
0x34: {  	s0 =	smul.u32 $0xFA, s11  }
0x35: {  	s2 =	rddreg [dreg:$0x4]  }
0x36: {  	s4 =	simm.s32 $0x19450;
	s15 =	rddreg [dreg:$0x5];
	s2 =	sadd.s32 s2, s0  }
0x37: {  	[tilespmem:s4], [sflag:$0x1] =	stream.linear.gather [hbm4b:s2+s3], $0x7D0, $0x38;
	[tilespmem:$0x1F220] =	vst v63  }
0x38: {  	s16 =	simm.s32 $0x19C20;
	s29 =	rddreg [dreg:$0x2];
	s2 =	sadd.s32 s15, s0  }
0x39: {  	[tilespmem:s16], [sflag:$0x2] =	stream.linear.gather [hbm4b:s2+s3], $0x7D0, $0x38;
	[tilespmem:$0x1F220] =	vst v63  }
0x3a: {  	s30 =	simm.s32 $0x1A3F0;
	s0 =	sadd.s32 s29, s0  }
0x3b: {  	[tilespmem:s30], [sflag:$0x3] =	stream.linear.gather [hbm4b:s0+s3], $0x7D0, $0x38;
	[tilespmem:$0x1F220] =	vst v63  }
0x3c: {  	_ =	swait.ge [sflag:s17], $0x7D0  }
0x3d: {  	[sflag:s17] =	ssyncset.done $0x0  }
0x3e: {  	[sflag:s17] =	ssyncadd.s32 $0xFFFFF830  }
0x3f: {  	_ =	swait.ge [sflag:s18], $0x7D0  }
0x40: {  	[sflag:s18] =	ssyncset.done $0x0  }
0x41: {  	[sflag:s18] =	ssyncadd.s32 $0xFFFFF830  }
0x42: {  	_ =	swait.ge [sflag:s19], $0x7D0  }
0x43: {  	[sflag:s19] =	ssyncset.done $0x0  }
0x44: {  	s31 =	simm.s32 $0x0;
	[sflag:s19] =	ssyncadd.s32 $0xFFFFF830  }
0x45: {  	v9 =	vld [tilespmem:s31+$0x19450];
	_ =	sdelay $0x4  }
0x46: {  	v10 =	vsub.s32 v9, v1;
	v11 =	vsub.s32 v2, v9  }
0x47: {  	vm0 =	vlt.s32 v10, v11  }
0x48: {  	v10 =	vsel vm0, v10, v11  }
0x49: {  	vm0 =	vgt.s32 v10, $0x0  }
0x4a: {  	v10 =	vsel vm0, $0x1, v4  }
0x4b: {  	[tilespmem:$0x1F1F0] =	vst v10  }
0x4c: {  	v11 =	vld [tilespmem:$0x1F1EF];
	_ =	sdelay $0x4  }
0x4d: {  	v10 =	vadd.s32 v10, v11  }
0x4e: {  	[tilespmem:$0x1F1F0] =	vst v10  }
0x4f: {  	v11 =	vld [tilespmem:$0x1F1EE];
	_ =	sdelay $0x4  }
0x50: {  	v10 =	vadd.s32 v11, v10  }
0x51: {  	[tilespmem:$0x1F1F0] =	vst v10  }
0x52: {  	v11 =	vld [tilespmem:$0x1F1EC];
	_ =	sdelay $0x4  }
0x53: {  	v10 =	vadd.s32 v11, v10  }
0x54: {  	[tilespmem:$0x1F1F0] =	vst v10  }
0x55: {  	v11 =	vld [tilespmem:$0x1F1E8]  }
0x56: {  	v12 =	vld [tilespmem:$0x1F200];
	_ =	sdelay $0x3  }
0x57: {  	v10 =	vadd.s32 v10, v11  }
0x58: {  	v11 =	vadd.s32 v10, v12  }
0x59: {  	v11 =	vadd.s32 $0xFFFFFFFF, v11  }
0x5a: {  	vm1 =	vgt.s32 v11, $0x0  }
0x5b: {  	v11 =	vnsel vm1, $0x0, v11  }
0x5c: {  	v11 =	vmin.u32 v11, $0x82E  }
0x5d: {  	v11 =	vnsel vm0, $0x82F, v11;
	_ =	sdelay $0x4  }
0x5e: {  	[tilespmem:v11+s20+$0x0] =	vst.idx.msk $0xffff, v9  }
0x5f: {  	v9 =	vld [tilespmem:s31+$0x19C20];
	_ =	sdelay $0x4  }
0x60: {  	[tilespmem:v11+s21+$0x0] =	vst.idx.msk $0xffff, v9  }
0x61: {  	v9 =	vld [tilespmem:s31+$0x1A3F0];
	_ =	sdelay $0x2  }
0x62: {  	v10 =	vbroadcast v10, $0xF;
	_ =	sdelay $0x1  }
0x63: {  	s4 =	simm.s32 $0x80;
	s2 =	simm.s32 $0x40;
	[tilespmem:v11+s22+$0x0] =	vst.idx.msk $0xffff, v9;
	v9 =	vadd.s32 v12, v10  }
.LBB2_5:
0x64: {  	p0 =	sne.s32 s4, $0x1F00  }
0x65: {  	s0 =	sshra.s32 s2, $0x2;
	[tilespmem:$0x1F200] =	vst v9;
	s2 =	smov.u32 s4;
	s4 =	sadd.s32 $0x40, s4  }
0x66: {  	v9 =	vld [tilespmem:s0+$0x19450];
	_ =	sdelay $0x4  }
0x67: {  	v10 =	vsub.s32 v9, v1;
	v11 =	vsub.s32 v2, v9  }
0x68: {  	vm0 =	vlt.s32 v10, v11  }
0x69: {  	v10 =	vsel vm0, v10, v11  }
0x6a: {  	vm0 =	vgt.s32 v10, $0x0  }
0x6b: {  	v10 =	vsel vm0, $0x1, v4  }
0x6c: {  	[tilespmem:$0x1F1F0] =	vst v10  }
0x6d: {  	v11 =	vld [tilespmem:$0x1F1EF];
	_ =	sdelay $0x4  }
0x6e: {  	v10 =	vadd.s32 v10, v11  }
0x6f: {  	[tilespmem:$0x1F1F0] =	vst v10  }
0x70: {  	v11 =	vld [tilespmem:$0x1F1EE];
	_ =	sdelay $0x4  }
0x71: {  	v10 =	vadd.s32 v11, v10  }
0x72: {  	[tilespmem:$0x1F1F0] =	vst v10  }
0x73: {  	v11 =	vld [tilespmem:$0x1F1EC];
	_ =	sdelay $0x4  }
0x74: {  	v10 =	vadd.s32 v11, v10  }
0x75: {  	[tilespmem:$0x1F1F0] =	vst v10  }
0x76: {  	v11 =	vld [tilespmem:$0x1F1E8]  }
0x77: {  	v12 =	vld [tilespmem:$0x1F200];
	_ =	sdelay $0x3  }
0x78: {  	v10 =	vadd.s32 v10, v11  }
0x79: {  	v11 =	vadd.s32 v10, v12;
	v10 =	vbroadcast v10, $0xF  }
0x7a: {  	v11 =	vadd.s32 $0xFFFFFFFF, v11  }
0x7b: {  	vm1 =	vgt.s32 v11, $0x0  }
0x7c: {  	v11 =	vnsel vm1, $0x0, v11  }
0x7d: {  	v11 =	vmin.u32 v11, $0x82E  }
0x7e: {  	v11 =	vnsel vm0, $0x82F, v11;
	_ =	sdelay $0x4  }
0x7f: {  	[tilespmem:v11+s20+$0x0] =	vst.idx.msk $0xffff, v9  }
0x80: {  	v9 =	vld [tilespmem:s0+$0x19C20];
	_ =	sdelay $0x4  }
0x81: {  	[tilespmem:v11+s21+$0x0] =	vst.idx.msk $0xffff, v9  }
0x82: {  	v9 =	vld [tilespmem:s0+$0x1A3F0]  }
.Ltmp3:
0x83: {  	(pc) =	sbr.rel @p0 .LBB2_5-.Ltmp3, $2  }
0x84: {  	_ =	sdelay $0x2  }
0x85: {  	[tilespmem:v11+s22+$0x0] =	vst.idx.msk $0xffff, v9;
	v9 =	vadd.s32 v12, v10  }
0x86: {  	s0 =	sshra.s32 s2, $0x2;
	[tilespmem:$0x1F200] =	vst v9  }
0x87: {  	v9 =	vld [tilespmem:s0+$0x19450];
	_ =	sdelay $0x4  }
0x88: {  	v10 =	vsub.s32 v9, v1;
	v11 =	vsub.s32 v2, v9  }
0x89: {  	vm0 =	vlt.s32 v10, v11  }
0x8a: {  	v10 =	vsel vm0, v10, v11  }
0x8b: {  	vm0 =	vgt.s32 v10, $0x0  }
0x8c: {  	v10 =	vsel vm0, $0x1, v4  }
0x8d: {  	[tilespmem:$0x1F1F0] =	vst v10  }
0x8e: {  	v11 =	vld [tilespmem:$0x1F1EF];
	_ =	sdelay $0x4  }
0x8f: {  	v10 =	vadd.s32 v10, v11  }
0x90: {  	[tilespmem:$0x1F1F0] =	vst v10  }
0x91: {  	v11 =	vld [tilespmem:$0x1F1EE];
	_ =	sdelay $0x4  }
0x92: {  	v10 =	vadd.s32 v11, v10  }
0x93: {  	[tilespmem:$0x1F1F0] =	vst v10  }
0x94: {  	v11 =	vld [tilespmem:$0x1F1EC];
	_ =	sdelay $0x4  }
0x95: {  	v10 =	vadd.s32 v11, v10  }
0x96: {  	[tilespmem:$0x1F1F0] =	vst v10  }
0x97: {  	v11 =	vld [tilespmem:$0x1F1E8];
	_ =	sdelay $0x2  }
0x98: {  	v12 =	vld [tilespmem:$0x1F200];
	_ =	sdelay $0x1  }
0x99: {  	v10 =	vadd.s32 v10, v11  }
0x9a: {  	v11 =	vbroadcast v10, $0xF;
	_ =	sdelay $0x1  }
0x9b: {  	v11 =	vadd.s32 v12, v11  }
0x9c: {  	(v2sf) =	vpush v11, $0x0  }
0x9d: {  	v10 =	vadd.s32 v10, v12  }
0x9e: {  	v10 =	vadd.s32 $0xFFFFFFFF, v10  }
0x9f: {  	vm1 =	vgt.s32 v10, $0x0  }
0xa0: {  	v10 =	vnsel vm1, $0x0, v10  }
0xa1: {  	v10 =	vmin.u32 v10, $0x82E  }
0xa2: {  	v10 =	vnsel vm0, $0x82F, v10;
	_ =	sdelay $0x4  }
0xa3: {  	[tilespmem:v10+s20+$0x0] =	vst.idx.msk $0xffff, v9  }
0xa4: {  	v9 =	vld [tilespmem:s0+$0x19C20];
	_ =	sdelay $0x2  }
0xa5: {  	s9 =	spop (v2sf)  }
0xa6: {  	s30 =	sand.u32 $0x3F, s9  }
0xa7: {  	[tilespmem:v10+s21+$0x0] =	vst.idx.msk $0xffff, v9;
	s31 =	sshra.s32 s9, $0x1F;
	p0 =	slt.s32 s9, $0x1;
	p1 =	sne.s32 s30, $0x0  }
0xa8: {  	v9 =	vld [tilespmem:s0+$0x1A3F0];
	s0 =	sshrl.u32 s31, $0x1A;
	p0 =	por !p0, !p1  }
0xa9: {  	s2 =	simm.s32 $0x1;
	s0 =	sadd.s32 s0, s9;
	p0 =	por !p0, !p0  }
0xaa: {  	s0 =	sshra.s32 s0, $0x6;
	s2 =	simm.s32 @!p0 $0x0  }
0xab: {  	s4 =	ssub.s32 s0, s2  }
0xac: {  	p0 =	slt.s32 s4, $0x1  }
.Ltmp4:
0xad: {  	_ = 	snop;
	(pc) =	sbr.rel @p0 .LBB2_12-.Ltmp4, $3  }
0xae: {  	_ =	sdelay $0x1  }
0xaf: {  	[tilespmem:v10+s22+$0x0] =	vst.idx.msk $0xffff, v9  }
0xb0: {  	s14 =	simm.s32 $0x0;
	[tilespmem:$0x1F200] =	vst v11;
	s2 =	simm.s32 $0x0  }
.LBB2_7:
0xb1: {  	s29 =	sshll.u32 s14, $0x6  }
0xb2: {  	s0 =	sor.u32 s29, s2  }
0xb3: {  	v9 =	vor.u32 s0, v0;
	_ =	sdelay $0x4  }
0xb4: {  	v10 =	vld.idx.msk [tilespmem:v9+s22+$0x0], $0xffff;
	_ =	sdelay $0x1  }
0xb5: {  	v11 =	vmov s2  }
0xb6: {  	vm0 =	vne.s32 v11, v6  }
0xb7: {  	v11 =	vsel vm0, $0x3F800000, v4  }
0xb8: {  	v12 =	vsub.f32 $1.000000000e+00, v11;
	v10 =	vmul.f32 v11, v10;
	_ =	sdelay $0x1  }
0xb9: {  	v12 =	vadd.f32 v10, v12;
	_ =	sdelay $0x1  }
0xba: {  	v10 =	vshrl.u32 v12, $0x1;
	v13 =	vmul.f32 $5.000000000e-01, v12  }
0xbb: {  	v10 =	vsub.s32 $0x5F3759DF, v10  }
0xbc: {  	v14 =	vmul.f32 v10, v13;
	_ =	sdelay $0x1  }
0xbd: {  	v14 =	vmul.f32 v10, v14;
	_ =	sdelay $0x1  }
0xbe: {  	v14 =	vsub.f32 $1.500000000e+00, v14;
	_ =	sdelay $0x1  }
0xbf: {  	v10 =	vmul.f32 v10, v14;
	_ =	sdelay $0x1  }
0xc0: {  	v14 =	vmul.f32 v10, v13;
	_ =	sdelay $0x1  }
0xc1: {  	v14 =	vmul.f32 v14, v10;
	_ =	sdelay $0x1  }
0xc2: {  	v14 =	vsub.f32 $1.500000000e+00, v14;
	_ =	sdelay $0x1  }
0xc3: {  	v10 =	vmul.f32 v14, v10  }
0xc4: {  	v63 =	vld.idx.msk [tilespmem:v9+s20+$0x0], $0xffff  }
0xc5: {  	v13 =	vmul.f32 v10, v13;
	_ =	sdelay $0x1  }
0xc6: {  	v13 =	vmul.f32 v13, v10  }
0xc7: {  	v9 =	vld.idx.msk [tilespmem:v9+s21+$0x0], $0xffff  }
0xc8: {  	v15 =	vsub.s32 v63, v3;
	v13 =	vsub.f32 $1.500000000e+00, v13  }
0xc9: {  	vm15 =	vgt.s32 v15, $0x0  }
0xca: {  	s15 =	simm.s32 $0x1C450;
	s0 =	simm.s32 $0x10;
	v13 =	vmul.f32 v13, v10;
	v10 =	vnsel vm15, $0x0, v15  }
0xcb: {  	s16 =	simm.s32 $0x1C490;
	s30 =	sor.u32 s29, s0;
	[tilespmem:s15+$0x0] =	vst v63;
	v10 =	vmin.u32 v10, $0xC3F  }
0xcc: {  	s5 =	simm.s32 $0x1C520;
	[tilespmem:s16+$0x0] =	vst v9;
	v9 =	vor.u32 s30, v0;
	v13 =	vmul.f32 v13, v12  }
0xcd: {  	s6 =	simm.s32 $0x1C4D0;
	[tilespmem:s5+$0x0] =	vst v10  }
0xce: {  	s31 =	simm.s32 $0x1C530;
	s30 =	simm.s32 $0x1C4E0;
	v11 =	vmul.f32 v11, v12;
	s5 =	simm.s32 $0x20;
	[tilespmem:s6+$0x0] =	vst v13  }
.LBB2_8:
0xcf: {  	s15 =	sadd.s32 $0x10, s15  }
0xd0: {  	[tilespmem:v10+s13+$0x0] =	vst.idx.add.f32.msk $0xffff, v11;
	s16 =	sadd.s32 $0x10, s16;
	s7 =	smov.u32 s5;
	s6 =	sadd.s32 $0x10, s5  }
0xd1: {  	p0 =	sne.s32 s5, $0x30;
	v10 =	vld.idx.msk [tilespmem:v9+s22+$0x0], $0xffff;
	_ =	sdelay $0x2  }
0xd2: {  	v11 =	vmov s0;
	s0 =	smov.u32 s7  }
0xd3: {  	vm0 =	vne.s32 v11, v6  }
0xd4: {  	v11 =	vsel vm0, $0x3F800000, v4  }
0xd5: {  	v12 =	vsub.f32 $1.000000000e+00, v11;
	v10 =	vmul.f32 v11, v10;
	_ =	sdelay $0x1  }
0xd6: {  	v12 =	vadd.f32 v10, v12;
	_ =	sdelay $0x1  }
0xd7: {  	v10 =	vshrl.u32 v12, $0x1;
	v13 =	vmul.f32 $5.000000000e-01, v12  }
0xd8: {  	v10 =	vsub.s32 $0x5F3759DF, v10  }
0xd9: {  	v14 =	vmul.f32 v10, v13;
	_ =	sdelay $0x1  }
0xda: {  	v14 =	vmul.f32 v10, v14;
	_ =	sdelay $0x1  }
0xdb: {  	v14 =	vsub.f32 $1.500000000e+00, v14;
	_ =	sdelay $0x1  }
0xdc: {  	v10 =	vmul.f32 v10, v14;
	_ =	sdelay $0x1  }
0xdd: {  	v14 =	vmul.f32 v10, v13;
	_ =	sdelay $0x1  }
0xde: {  	v14 =	vmul.f32 v14, v10;
	_ =	sdelay $0x1  }
0xdf: {  	v14 =	vsub.f32 $1.500000000e+00, v14  }
0xe0: {  	v15 =	vld.idx.msk [tilespmem:v9+s20+$0x0], $0xffff  }
0xe1: {  	v14 =	vmul.f32 v14, v10;
	_ =	sdelay $0x1  }
0xe2: {  	v10 =	vmul.f32 v14, v13;
	v9 =	vld.idx.msk [tilespmem:v9+s21+$0x0], $0xffff;
	_ =	sdelay $0x1  }
0xe3: {  	v10 =	vmul.f32 v10, v14  }
0xe4: {  	v13 =	vsub.s32 v15, v3  }
0xe5: {  	vm0 =	vgt.s32 v13, $0x0;
	v16 =	vsub.f32 $1.500000000e+00, v10  }
0xe6: {  	v10 =	vnsel vm0, $0x0, v13;
	[tilespmem:s15+$0x0] =	vst v15  }
.Ltmp5:
0xe7: {  	s5 =	sor.u32 s29, s0;
	v10 =	vmin.u32 v10, $0xC3F;
	v13 =	vmul.f32 v16, v14;
	[tilespmem:s16+$0x0] =	vst v9;
	(pc) =	sbr.rel @p0 .LBB2_8-.Ltmp5, $4  }
0xe8: {  	v9 =	vor.u32 s5, v0;
	[tilespmem:s31+$0x0] =	vst v10  }
0xe9: {  	v13 =	vmul.f32 v13, v12  }
0xea: {  	v11 =	vmul.f32 v11, v12  }
0xeb: {  	s5 =	smov.u32 s6;
	s31 =	sadd.s32 $0x10, s31;
	[tilespmem:s30+$0x0] =	vst v13;
	s30 =	sadd.s32 $0x10, s30  }
0xec: {  	_ =	sdelay $0x3  }
0xed: {  	[tilespmem:v10+s13+$0x0] =	vst.idx.add.f32.msk $0xffff, v11  }
0xee: {  	v10 =	vld.idx.msk [tilespmem:v9+s22+$0x0], $0xffff;
	_ =	sdelay $0x1  }
0xef: {  	v11 =	vmov s0  }
0xf0: {  	vm0 =	vne.s32 v11, v6  }
0xf1: {  	v11 =	vsel vm0, $0x3F800000, v4  }
0xf2: {  	v12 =	vsub.f32 $1.000000000e+00, v11;
	v10 =	vmul.f32 v11, v10;
	_ =	sdelay $0x1  }
0xf3: {  	v10 =	vadd.f32 v10, v12;
	_ =	sdelay $0x1  }
0xf4: {  	v12 =	vshrl.u32 v10, $0x1;
	v13 =	vmul.f32 $5.000000000e-01, v10  }
0xf5: {  	v12 =	vsub.s32 $0x5F3759DF, v12  }
0xf6: {  	v14 =	vmul.f32 v12, v13;
	_ =	sdelay $0x1  }
0xf7: {  	v14 =	vmul.f32 v12, v14;
	_ =	sdelay $0x1  }
0xf8: {  	v14 =	vsub.f32 $1.500000000e+00, v14;
	_ =	sdelay $0x1  }
0xf9: {  	v12 =	vmul.f32 v12, v14;
	_ =	sdelay $0x1  }
0xfa: {  	v14 =	vmul.f32 v12, v13;
	_ =	sdelay $0x1  }
0xfb: {  	v14 =	vmul.f32 v14, v12;
	_ =	sdelay $0x1  }
0xfc: {  	v14 =	vsub.f32 $1.500000000e+00, v14;
	_ =	sdelay $0x1  }
0xfd: {  	v15 =	vld.idx.msk [tilespmem:v9+s20+$0x0], $0xffff;
	v12 =	vmul.f32 v14, v12;
	_ =	sdelay $0x1  }
0xfe: {  	v13 =	vmul.f32 v12, v13;
	_ =	sdelay $0x1  }
0xff: {  	v13 =	vmul.f32 v13, v12  }
0x100: {  	v9 =	vld.idx.msk [tilespmem:v9+s21+$0x0], $0xffff;
	v14 =	vsub.s32 v15, v3  }
0x101: {  	vm15 =	vgt.s32 v14, $0x0;
	v13 =	vsub.f32 $1.500000000e+00, v13  }
0x102: {  	v14 =	vnsel vm15, $0x0, v14  }
0x103: {  	s29 =	sadd.s32 $0x10, s15;
	v14 =	vmin.u32 v14, $0xC3F;
	v12 =	vmul.f32 v13, v12  }
0x104: {  	s5 =	sadd.s32 $0x10, s16;
	[tilespmem:s29+$0x0] =	vst v15  }
0x105: {  	[tilespmem:s5+$0x0] =	vst v9;
	v9 =	vmul.f32 v12, v10  }
0x106: {  	[tilespmem:s31+$0x0] =	vst v14;
	v10 =	vmul.f32 v11, v10  }
0x107: {  	[tilespmem:s30+$0x0] =	vst v9  }
0x108: {  	[tilespmem:v14+s13+$0x0] =	vst.idx.add.f32.msk $0xffff, v10  }
0x109: {  	[tilespmem:s25], [sflag:$0x1] =	stream.indirect.gather [hbm4b:s1+s23], $0x20, s24, s23, $0xb8;
	[tilespmem:$0x1F220] =	vst v63  }
0x10a: {  	_ = 	snop  }
0x10b: {  	[tilespmem:s28], [sflag:$0x2] =	stream.indirect.gather [hbm4b:s1+s23], $0x20, s26, s23, $0xb8;
	[tilespmem:$0x1F220] =	vst v63  }
0x10c: {  	_ =	swait.ge [sflag:s17], $0x800  }
0x10d: {  	[sflag:s17] =	ssyncset.done $0x0  }
0x10e: {  	[sflag:s17] =	ssyncadd.s32 $0xFFFFF800  }
0x10f: {  	_ =	swait.ge [sflag:s18], $0x800  }
0x110: {  	[sflag:s18] =	ssyncset.done $0x0  }
0x111: {  	s0 =	simm.s32 $0x1C520;
	[sflag:s18] =	ssyncadd.s32 $0xFFFFF800  }
0x112: {  	v9 =	vld [tilespmem:s0+$0x0];
	_ =	sdelay $0x4  }
0x113: {  	(v2sf) =	vpush v9, $0x0;
	_ =	sdelay $0x3  }
0x114: {  	s31 =	simm.s32 $0x0  }
0x115: {  	v10 =	vor.u32 s31, v0  }
0x116: {  	v9 =	vor.u32 s31, v7;
	_ =	sdelay $0x3  }
0x117: {  	v12 =	vld.idx.msk [tilespmem:v10+s28+$0x0], $0xffff  }
0x118: {  	v11 =	vld.idx.msk [tilespmem:v9+s28+$0x0], $0xffff  }
0x119: {  	v13 =	vld.idx.msk [tilespmem:v9+s25+$0x0], $0xffff  }
0x11a: {  	v10 =	vld.idx.msk [tilespmem:v10+s25+$0x0], $0xffff  }
0x11b: {  	s5 =	simm.s32 $0x1C4D0  }
0x11c: {  	v9 =	vld.msk [tilespmem:s5+$0x0 ss:$0x0], $0xffff;
	s6 =	spop (v2sf)  }
0x11d: {  	s6 =	sshll.u32 s6, $0x7  }
0x11e: {  	v11 =	vsub.f32 v13, v11;
	s16 =	sshra.s32 s6, $0x2  }
0x11f: {  	v12 =	vsub.f32 v10, v12;
	v10 =	vld [tilespmem:s16+$0x0]  }
0x120: {  	v14 =	vmax.f32 v11, $0.0e+00;
	v11 =	vld [tilespmem:s16+$0x10]  }
0x121: {  	s15 =	simm.s32 $0x1;
	v13 =	vmax.f32 v12, $0.0e+00;
	v12 =	vmul.f32 v14, v9  }
.LBB2_10:
0x122: {  	p0 =	sne.s32 s15, $0x3F;
	v9 =	vmul.f32 v13, v9;
	s5 =	sadd.s32 $0x1, s5;
	s0 =	sadd.s32 $0x1, s0  }
0x123: {  	s6 =	smov.u32 s15;
	s15 =	sadd.s32 $0x1, s15  }
0x124: {  	v9 =	vmax.f32 v10, v9  }
0x125: {  	[tilespmem:s16+$0x0] =	vst v9;
	v9 =	vmax.f32 v11, v12  }
0x126: {  	[tilespmem:s16+$0x10] =	vst v9  }
0x127: {  	v9 =	vld [tilespmem:s0+$0x0];
	_ =	sdelay $0x4  }
0x128: {  	(v2sf) =	vpush v9, $0x0;
	_ =	sdelay $0x2  }
0x129: {  	s6 =	sshll.u32 s6, $0x5  }
0x12a: {  	v10 =	vor.u32 s6, v7;
	v9 =	vor.u32 s6, v0;
	_ =	sdelay $0x4  }
0x12b: {  	v11 =	vld.idx.msk [tilespmem:v10+s28+$0x0], $0xffff  }
0x12c: {  	v12 =	vld.idx.msk [tilespmem:v9+s28+$0x0], $0xffff  }
0x12d: {  	v10 =	vld.idx.msk [tilespmem:v10+s25+$0x0], $0xffff  }
0x12e: {  	v13 =	vld.idx.msk [tilespmem:v9+s25+$0x0], $0xffff;
	_ =	sdelay $0x1  }
0x12f: {  	v9 =	vld.msk [tilespmem:s5+$0x0 ss:$0x0], $0xffff  }
0x130: {  	s6 =	spop (v2sf)  }
.Ltmp6:
0x131: {  	s6 =	sshll.u32 s6, $0x7;
	(pc) =	sbr.rel @p0 .LBB2_10-.Ltmp6, $4  }
0x132: {  	v11 =	vsub.f32 v10, v11;
	s16 =	sshra.s32 s6, $0x2  }
0x133: {  	v12 =	vsub.f32 v13, v12;
	v10 =	vld [tilespmem:s16+$0x0]  }
0x134: {  	v14 =	vmax.f32 v11, $0.0e+00;
	v11 =	vld [tilespmem:s16+$0x10]  }
0x135: {  	v13 =	vmax.f32 v12, $0.0e+00;
	v12 =	vmul.f32 v14, v9  }
0x136: {  	s14 =	sadd.s32 $0x1, s14  }
0x137: {  	p0 =	sne.s32 s14, s4  }
.Ltmp7:
0x138: {  	v9 =	vmul.f32 v13, v9;
	(pc) =	sbr.rel @p0 .LBB2_7-.Ltmp7, $4  }
0x139: {  	_ = 	snop  }
0x13a: {  	v9 =	vmax.f32 v10, v9  }
0x13b: {  	[tilespmem:s16+$0x0] =	vst v9;
	v9 =	vmax.f32 v11, v12  }
0x13c: {  	[tilespmem:s16+$0x10] =	vst v9  }
.LBB2_12:
0x13d: {  	s0 =	sshll.u32 s4, $0x6  }
0x13e: {  	s9 =	ssub.s32 s9, s0  }
0x13f: {  	s0 =	sadd.s32 $0xF, s9  }
0x140: {  	s2 =	sand.u32 $0xF, s0  }
0x141: {  	s31 =	sshra.s32 s0, $0x1F;
	p1 =	slt.s32 s0, $0x1;
	p0 =	sne.s32 s2, $0x0  }
0x142: {  	s2 =	sshrl.u32 s31, $0x1C;
	p0 =	por !p1, !p0  }
0x143: {  	s0 =	sadd.s32 s2, s0;
	s2 =	simm.s32 $0x1;
	p0 =	por !p0, !p0  }
0x144: {  	s0 =	sshra.s32 s0, $0x4;
	s2 =	simm.s32 @!p0 $0x0  }
0x145: {  	s5 =	ssub.s32 s0, s2  }
0x146: {  	p0 =	slt.s32 s5, $0x1  }
.Ltmp8:
0x147: {  	_ = 	snop;
	(pc) =	sbr.rel @p0 .LBB2_19-.Ltmp8, $1  }
0x148: {  	_ =	sdelay $0x3  }
0x149: {  	s0 =	sshll.u32 s4, $0x8  }
0x14a: {  	s0 =	sshra.s32 s0, $0x2  }
0x14b: {  	v9 =	vmov s0  }
0x14c: {  	p1 =	sne.s32 s5, $0x1  }
.Ltmp9:
0x14d: {  	_ = 	snop;
	(pc) =	sbr.rel @!p1 .LBB2_14-.Ltmp9, $4  }
0x14e: {  	_ = 	snop  }
0x14f: {  	s4 =	simm.s32 $0x1ABC0  }
0x150: {  	s2 =	simm.s32 $0x1B3F0;
	v10 =	vld.idx.msk [tilespmem:v9+s4+$0x0 ss:$0x1], $0xffff  }
0x151: {  	s5 =	sadd.s32 $0xFFFFFFFF, s5;
	p0 =	por $0x0, $0x0;
	s0 =	simm.s32 $0x1BC20  }
0x152: {  	_ =	sdelay $0x2  }
0x153: {  	[tilespmem:s4+$0x0] =	vst v10  }
0x154: {  	v10 =	vld.idx.msk [tilespmem:v9+s2+$0x0 ss:$0x1], $0xffff;
	_ =	sdelay $0x4  }
0x155: {  	[tilespmem:s2+$0x0] =	vst v10  }
0x156: {  	v10 =	vld.idx.msk [tilespmem:v9+s0+$0x0 ss:$0x1], $0xffff;
	_ =	sdelay $0x1  }
0x157: {  	p1 =	sne.s32 s5, $0x1  }
.Ltmp10:
0x158: {  	_ = 	snop;
	(pc) =	sbr.rel @!p1 .LBB2_16-.Ltmp10, $4  }
0x159: {  	_ = 	snop  }
0x15a: {  	s4 =	simm.s32 $0x1ABD0;
	[tilespmem:s0+$0x0] =	vst v10  }
0x15b: {  	s15 =	sadd.s32 $0xFFFFFFFF, s5;
	v10 =	vld.idx.msk [tilespmem:v9+s4+$0x0 ss:$0x1], $0xffff  }
0x15c: {  	p0 =	por $0x1, $0x1;
	s14 =	simm.s32 $0x1B3F0;
	s5 =	simm.s32 $0x1BC20  }
.LBB2_17:
0x15d: {  	p1 =	sne.s32 s15, $0x1;
	_ =	sdelay $0x4  }
0x15e: {  	s14 =	sadd.s32 $0x10, s14;
	[tilespmem:s4+$0x0] =	vst v10  }
0x15f: {  	v10 =	vld.idx.msk [tilespmem:v9+s14+$0x0 ss:$0x1], $0xffff;
	_ =	sdelay $0x5  }
0x160: {  	s5 =	sadd.s32 $0x10, s5;
	[tilespmem:s14+$0x0] =	vst v10  }
0x161: {  	v10 =	vld.idx.msk [tilespmem:v9+s5+$0x0 ss:$0x1], $0xffff;
	_ =	sdelay $0x2  }
.Ltmp11:
0x162: {  	(pc) =	sbr.rel @p1 .LBB2_17-.Ltmp11, $3  }
0x163: {  	_ =	sdelay $0x1  }
0x164: {  	s4 =	sadd.s32 $0x10, s4;
	[tilespmem:s5+$0x0] =	vst v10  }
0x165: {  	s15 =	sadd.s32 $0xFFFFFFFF, s15;
	v10 =	vld.idx.msk [tilespmem:v9+s4+$0x0 ss:$0x1], $0xffff  }
.Ltmp12:
0x166: {  	_ = 	snop;
	(pc) =	sbr.rel .LBB2_18-.Ltmp12, $1  }
0x167: {  	_ =	sdelay $0x3  }
.LBB2_16:
.Ltmp13:
0x168: {  	(pc) =	sbr.rel .LBB2_18-.Ltmp13, $2  }
0x169: {  	_ =	sdelay $0x2  }
0x16a: {  	s14 =	simm.s32 $0x1B3F0;
	s5 =	simm.s32 $0x1BC20  }
.LBB2_20:
0x16b: {  	s0 =	simm.s32 $0x0  }
0x16c: {  	v10 =	vor.u32 s0, v0  }
0x16d: {  	v11 =	vand.u32 v8, v10;
	_ =	sdelay $0x4  }
0x16e: {  	v12 =	vld.idx.msk [tilespmem:v11+s22+$0x0], $0xffff;
	_ =	sdelay $0x1  }
0x16f: {  	v10 =	vsub.s32 v9, v10  }
0x170: {  	vm0 =	vgt.s32 v10, $0x0  }
0x171: {  	v10 =	vsel vm0, $0x3F800000, v4  }
0x172: {  	v13 =	vsub.f32 $1.000000000e+00, v10;
	v12 =	vmul.f32 v10, v12;
	_ =	sdelay $0x1  }
0x173: {  	v13 =	vadd.f32 v12, v13;
	_ =	sdelay $0x1  }
0x174: {  	v12 =	vshrl.u32 v13, $0x1;
	v14 =	vmul.f32 $5.000000000e-01, v13  }
0x175: {  	v12 =	vsub.s32 $0x5F3759DF, v12  }
0x176: {  	v15 =	vmul.f32 v12, v14;
	_ =	sdelay $0x1  }
0x177: {  	v15 =	vmul.f32 v12, v15;
	_ =	sdelay $0x1  }
0x178: {  	v15 =	vsub.f32 $1.500000000e+00, v15;
	_ =	sdelay $0x1  }
0x179: {  	v12 =	vmul.f32 v12, v15;
	_ =	sdelay $0x1  }
0x17a: {  	v15 =	vmul.f32 v12, v14;
	_ =	sdelay $0x1  }
0x17b: {  	v15 =	vmul.f32 v15, v12;
	_ =	sdelay $0x1  }
0x17c: {  	v15 =	vsub.f32 $1.500000000e+00, v15;
	_ =	sdelay $0x1  }
0x17d: {  	v12 =	vmul.f32 v15, v12  }
0x17e: {  	v15 =	vld.idx.msk [tilespmem:v11+s20+$0x0], $0xffff  }
0x17f: {  	v14 =	vmul.f32 v12, v14;
	_ =	sdelay $0x1  }
0x180: {  	v14 =	vmul.f32 v14, v12  }
0x181: {  	v11 =	vld.idx.msk [tilespmem:v11+s21+$0x0], $0xffff  }
0x182: {  	v16 =	vsub.s32 v15, v3;
	v14 =	vsub.f32 $1.500000000e+00, v14  }
0x183: {  	vm0 =	vgt.s32 v16, $0x0  }
0x184: {  	s2 =	simm.s32 $0x1C450;
	s30 =	simm.s32 $0x10;
	v14 =	vmul.f32 v14, v12;
	v12 =	vnsel vm0, $0x0, v16  }
0x185: {  	s3 =	simm.s32 $0x1C490;
	[tilespmem:s2+$0x0] =	vst v15;
	v15 =	vor.u32 s30, v0;
	v12 =	vmin.u32 v12, $0xC3F  }
0x186: {  	s4 =	simm.s32 $0x1C520;
	[tilespmem:s3+$0x0] =	vst v11;
	v11 =	vmul.f32 v10, v13;
	v10 =	vand.u32 v8, v15;
	v14 =	vmul.f32 v14, v13  }
0x187: {  	s31 =	simm.s32 $0x1C4D0;
	v63 =	vsub.s32 v9, v15;
	[tilespmem:s4+$0x0] =	vst v12  }
0x188: {  	s14 =	simm.s32 $0x20;
	s11 =	simm.s32 $0x1C4E0;
	vm0 =	vgt.s32 v63, $0x0;
	s4 =	simm.s32 $0x1C530;
	[tilespmem:s31+$0x0] =	vst v14  }
.LBB2_21:
0x189: {  	s2 =	sadd.s32 $0x10, s2  }
0x18a: {  	[tilespmem:v12+s13+$0x0] =	vst.idx.add.f32.msk $0xffff, v11;
	s3 =	sadd.s32 $0x10, s3;
	s5 =	smov.u32 s14;
	s0 =	sadd.s32 $0x10, s14  }
0x18b: {  	p0 =	sne.s32 s14, $0x30;
	v11 =	vld.idx.msk [tilespmem:v10+s22+$0x0], $0xffff;
	_ =	sdelay $0x4  }
0x18c: {  	v12 =	vsel vm0, $0x3F800000, v4  }
0x18d: {  	v13 =	vsub.f32 $1.000000000e+00, v12;
	v11 =	vmul.f32 v12, v11;
	_ =	sdelay $0x1  }
0x18e: {  	v13 =	vadd.f32 v11, v13;
	_ =	sdelay $0x1  }
0x18f: {  	v14 =	vshrl.u32 v13, $0x1;
	v15 =	vmul.f32 $5.000000000e-01, v13;
	v11 =	vmul.f32 v12, v13  }
0x190: {  	v12 =	vsub.s32 $0x5F3759DF, v14  }
0x191: {  	v14 =	vmul.f32 v12, v15;
	_ =	sdelay $0x1  }
0x192: {  	v14 =	vmul.f32 v12, v14;
	_ =	sdelay $0x1  }
0x193: {  	v14 =	vsub.f32 $1.500000000e+00, v14;
	_ =	sdelay $0x1  }
0x194: {  	v12 =	vmul.f32 v12, v14;
	_ =	sdelay $0x1  }
0x195: {  	v14 =	vmul.f32 v12, v15;
	_ =	sdelay $0x1  }
0x196: {  	v14 =	vmul.f32 v14, v12;
	_ =	sdelay $0x1  }
0x197: {  	v14 =	vsub.f32 $1.500000000e+00, v14  }
0x198: {  	v16 =	vld.idx.msk [tilespmem:v10+s20+$0x0], $0xffff  }
0x199: {  	v14 =	vmul.f32 v14, v12;
	_ =	sdelay $0x1  }
0x19a: {  	v12 =	vmul.f32 v14, v15;
	v10 =	vld.idx.msk [tilespmem:v10+s21+$0x0], $0xffff;
	_ =	sdelay $0x1  }
0x19b: {  	v12 =	vmul.f32 v12, v14  }
0x19c: {  	v15 =	vsub.s32 v16, v3  }
0x19d: {  	vm0 =	vgt.s32 v15, $0x0;
	v17 =	vsub.f32 $1.500000000e+00, v12  }
0x19e: {  	v12 =	vnsel vm0, $0x0, v15;
	[tilespmem:s2+$0x0] =	vst v16  }
.Ltmp14:
0x19f: {  	v15 =	vor.u32 s5, v0;
	v12 =	vmin.u32 v12, $0xC3F;
	v14 =	vmul.f32 v17, v14;
	[tilespmem:s3+$0x0] =	vst v10;
	(pc) =	sbr.rel @p0 .LBB2_21-.Ltmp14, $3  }
0x1a0: {  	v10 =	vand.u32 v8, v15;
	v15 =	vsub.s32 v9, v15;
	[tilespmem:s4+$0x0] =	vst v12  }
0x1a1: {  	vm0 =	vgt.s32 v15, $0x0;
	v13 =	vmul.f32 v14, v13;
	_ =	sdelay $0x1  }
0x1a2: {  	s14 =	smov.u32 s0;
	s4 =	sadd.s32 $0x10, s4;
	[tilespmem:s11+$0x0] =	vst v13;
	s11 =	sadd.s32 $0x10, s11  }
0x1a3: {  	_ =	sdelay $0x3  }
0x1a4: {  	[tilespmem:v12+s13+$0x0] =	vst.idx.add.f32.msk $0xffff, v11  }
0x1a5: {  	v9 =	vld.idx.msk [tilespmem:v10+s22+$0x0], $0xffff;
	_ =	sdelay $0x3  }
0x1a6: {  	v11 =	vsel vm0, $0x3F800000, v4  }
0x1a7: {  	v62 =	vsub.f32 $1.000000000e+00, v11;
	v9 =	vmul.f32 v11, v9;
	_ =	sdelay $0x1  }
0x1a8: {  	v9 =	vadd.f32 v9, v62;
	_ =	sdelay $0x1  }
0x1a9: {  	v12 =	vshrl.u32 v9, $0x1;
	v13 =	vmul.f32 $5.000000000e-01, v9  }
0x1aa: {  	v12 =	vsub.s32 $0x5F3759DF, v12  }
0x1ab: {  	v14 =	vmul.f32 v12, v13;
	_ =	sdelay $0x1  }
0x1ac: {  	v14 =	vmul.f32 v12, v14;
	_ =	sdelay $0x1  }
0x1ad: {  	v14 =	vsub.f32 $1.500000000e+00, v14;
	_ =	sdelay $0x1  }
0x1ae: {  	v12 =	vmul.f32 v12, v14;
	_ =	sdelay $0x1  }
0x1af: {  	v14 =	vmul.f32 v12, v13;
	_ =	sdelay $0x1  }
0x1b0: {  	v14 =	vmul.f32 v14, v12;
	_ =	sdelay $0x1  }
0x1b1: {  	v14 =	vsub.f32 $1.500000000e+00, v14;
	_ =	sdelay $0x1  }
0x1b2: {  	v15 =	vld.idx.msk [tilespmem:v10+s20+$0x0], $0xffff;
	v12 =	vmul.f32 v14, v12;
	_ =	sdelay $0x1  }
0x1b3: {  	v13 =	vmul.f32 v12, v13;
	_ =	sdelay $0x1  }
0x1b4: {  	v13 =	vmul.f32 v13, v12  }
0x1b5: {  	v10 =	vld.idx.msk [tilespmem:v10+s21+$0x0], $0xffff;
	v63 =	vsub.s32 v15, v3  }
0x1b6: {  	vm15 =	vgt.s32 v63, $0x0;
	v13 =	vsub.f32 $1.500000000e+00, v13  }
0x1b7: {  	v14 =	vnsel vm15, $0x0, v63  }
0x1b8: {  	s0 =	sadd.s32 $0x10, s2;
	v14 =	vmin.u32 v14, $0xC3F;
	v12 =	vmul.f32 v13, v12  }
0x1b9: {  	s31 =	sadd.s32 $0x10, s3;
	[tilespmem:s0+$0x0] =	vst v15  }
0x1ba: {  	[tilespmem:s31+$0x0] =	vst v10;
	v10 =	vmul.f32 v12, v9  }
0x1bb: {  	[tilespmem:s4+$0x0] =	vst v14;
	v9 =	vmul.f32 v11, v9  }
0x1bc: {  	[tilespmem:s11+$0x0] =	vst v10  }
0x1bd: {  	[tilespmem:v14+s13+$0x0] =	vst.idx.add.f32.msk $0xffff, v9  }
0x1be: {  	[tilespmem:s25], [sflag:$0x1] =	stream.indirect.gather [hbm4b:s1+s23], $0x20, s24, s23, $0xb8;
	[tilespmem:$0x1F220] =	vst v63  }
0x1bf: {  	_ = 	snop  }
0x1c0: {  	[tilespmem:s28], [sflag:$0x2] =	stream.indirect.gather [hbm4b:s1+s23], $0x20, s26, s23, $0xb8;
	[tilespmem:$0x1F220] =	vst v63  }
0x1c1: {  	p0 =	slt.s32 s9, $0x1;
	_ =	swait.ge [sflag:s17], $0x800  }
.Ltmp15:
0x1c2: {  	[sflag:s17] =	ssyncset.done $0x0;
	(pc) =	sbr.rel @p0 .LBB2_26-.Ltmp15, $4  }
0x1c3: {  	[sflag:s17] =	ssyncadd.s32 $0xFFFFF800  }
0x1c4: {  	_ =	swait.ge [sflag:s18], $0x800  }
0x1c5: {  	s14 =	simm.s32 $0x70;
	[sflag:s18] =	ssyncset.done $0x0  }
0x1c6: {  	s11 =	simm.s32 $0x1D570;
	s7 =	rddreg [dreg:$0x6];
	[sflag:s18] =	ssyncadd.s32 $0xFFFFF800  }
0x1c7: {  	s0 =	simm.s32 $0x1C520  }
0x1c8: {  	v9 =	vld [tilespmem:s0+$0x0];
	_ =	sdelay $0x4  }
0x1c9: {  	(v2sf) =	vpush v9, $0x0;
	_ =	sdelay $0x2  }
0x1ca: {  	s2 =	simm.s32 $0x0  }
0x1cb: {  	v10 =	vor.u32 s2, v0  }
0x1cc: {  	v9 =	vor.u32 s2, v7;
	_ =	sdelay $0x3  }
0x1cd: {  	v12 =	vld.idx.msk [tilespmem:v10+s28+$0x0], $0xffff  }
0x1ce: {  	v11 =	vld.idx.msk [tilespmem:v9+s28+$0x0], $0xffff  }
0x1cf: {  	v13 =	vld.idx.msk [tilespmem:v9+s25+$0x0], $0xffff  }
0x1d0: {  	v10 =	vld.idx.msk [tilespmem:v10+s25+$0x0], $0xffff  }
0x1d1: {  	s2 =	simm.s32 $0x1C4D0  }
0x1d2: {  	p0 =	sgt.s32 s9, $0x1;
	v9 =	vld.msk [tilespmem:s2+$0x0 ss:$0x0], $0xffff  }
.Ltmp16:
0x1d3: {  	s3 =	spop (v2sf);
	(pc) =	sbr.rel @!p0 .LBB2_25-.Ltmp16, $4  }
0x1d4: {  	v11 =	vsub.f32 v13, v11;
	s3 =	sshll.u32 s3, $0x7  }
0x1d5: {  	v12 =	vsub.f32 v10, v12;
	s4 =	sshra.s32 s3, $0x2  }
0x1d6: {  	v14 =	vmax.f32 v11, $0.0e+00;
	v10 =	vld [tilespmem:s4+$0x0]  }
0x1d7: {  	v13 =	vmax.f32 v12, $0.0e+00;
	v12 =	vmul.f32 v14, v9;
	s3 =	simm.s32 $0x1;
	v11 =	vld [tilespmem:s4+$0x10]  }
.LBB2_24:
0x1d8: {  	s2 =	sadd.s32 $0x1, s2  }
0x1d9: {  	v9 =	vmul.f32 v13, v9;
	s0 =	sadd.s32 $0x1, s0;
	s5 =	smov.u32 s3;
	s3 =	sadd.s32 $0x1, s3  }
0x1da: {  	p0 =	slt.s32 s3, s9  }
0x1db: {  	v9 =	vmax.f32 v10, v9  }
0x1dc: {  	[tilespmem:s4+$0x0] =	vst v9;
	v9 =	vmax.f32 v11, v12  }
0x1dd: {  	[tilespmem:s4+$0x10] =	vst v9  }
0x1de: {  	v9 =	vld [tilespmem:s0+$0x0];
	_ =	sdelay $0x4  }
0x1df: {  	(v2sf) =	vpush v9, $0x0;
	_ =	sdelay $0x2  }
0x1e0: {  	s4 =	sshll.u32 s5, $0x5  }
0x1e1: {  	v10 =	vor.u32 s4, v7;
	v9 =	vor.u32 s4, v0;
	_ =	sdelay $0x4  }
0x1e2: {  	v11 =	vld.idx.msk [tilespmem:v10+s28+$0x0], $0xffff  }
0x1e3: {  	v12 =	vld.idx.msk [tilespmem:v9+s28+$0x0], $0xffff  }
0x1e4: {  	v10 =	vld.idx.msk [tilespmem:v10+s25+$0x0], $0xffff  }
0x1e5: {  	v13 =	vld.idx.msk [tilespmem:v9+s25+$0x0], $0xffff;
	_ =	sdelay $0x1  }
0x1e6: {  	v9 =	vld.msk [tilespmem:s2+$0x0 ss:$0x0], $0xffff  }
0x1e7: {  	s4 =	spop (v2sf)  }
.Ltmp17:
0x1e8: {  	s4 =	sshll.u32 s4, $0x7;
	(pc) =	sbr.rel @p0 .LBB2_24-.Ltmp17, $4  }
0x1e9: {  	v11 =	vsub.f32 v10, v11;
	s4 =	sshra.s32 s4, $0x2  }
0x1ea: {  	v12 =	vsub.f32 v13, v12;
	v10 =	vld [tilespmem:s4+$0x0]  }
0x1eb: {  	v14 =	vmax.f32 v11, $0.0e+00;
	v11 =	vld [tilespmem:s4+$0x10]  }
0x1ec: {  	v13 =	vmax.f32 v12, $0.0e+00;
	v12 =	vmul.f32 v14, v9  }
.LBB2_25:
0x1ed: {  	_ = 	snop  }
0x1ee: {  	v9 =	vmul.f32 v13, v9;
	_ =	sdelay $0x1  }
0x1ef: {  	v9 =	vmax.f32 v10, v9  }
0x1f0: {  	[tilespmem:s4+$0x0] =	vst v9;
	v9 =	vmax.f32 v11, v12  }
0x1f1: {  	[tilespmem:s4+$0x10] =	vst v9  }
.LBB2_26:
0x1f2: {  	s2 =	simm.s32 $0x0;
	s0 =	simm.s32 $0x0;
	s3 =	simm.s32 $0x40  }
.LBB2_27:
0x1f3: {  	p0 =	sne.s32 s3, $0x30C0;
	v9 =	vld [tilespmem:s0+$0x18800];
	_ =	sdelay $0x4  }
0x1f4: {  	v9 =	vmax.f32 v9, $9.999999680e-21  }
0x1f5: {  	(erf) = vrcp.f32 v9;
	_ =	sdelay $0x5  }
.Ltmp18:
0x1f6: {  	(pc) =	sbr.rel @p0 .LBB2_27-.Ltmp18, $3  }
0x1f7: {  	_ =	sdelay $0x1  }
0x1f8: {  	v9 =	vpop (erf)  }
0x1f9: {  	[tilespmem:s0+$0x18800] =	vst v9;
	s0 =	sshra.s32 s3, $0x2;
	s3 =	sadd.s32 $0x40, s3  }
0x1fa: {  	v9 =	vld [tilespmem:s0+$0x18800];
	_ =	sdelay $0x4  }
0x1fb: {  	v9 =	vmax.f32 v9, $9.999999680e-21  }
0x1fc: {  	(erf) = vrcp.f32 v9;
	_ =	sdelay $0x8  }
0x1fd: {  	v9 =	vpop (erf)  }
0x1fe: {  	s3 =	simm.s32 $0x0;
	[tilespmem:s0+$0x18800] =	vst v9;
	s0 =	simm.s32 $0x18800  }
.LBB2_29:
0x1ff: {  	s4 =	smul.u32 $0x70, s3;
	_ =	sdelay $0x1  }
0x200: {  	s4 =	sadd.s32 s8, s4  }
0x201: {  	s5 =	sshll.u32 s4, $0x2  }
0x202: {  	s6 =	simm.s32 $0x0;
	s5 =	sadd.s32 s7, s5  }
0x203: {  	[tilespmem:s11], [sflag:$0x4] =	stream.linear.gather [hbm4b:s5+s6], $0xE00, $0x38;
	[tilespmem:$0x1F220] =	vst v63  }
0x204: {  	_ =	swait.ge [sflag:s12], $0xE00  }
0x205: {  	[sflag:s12] =	ssyncset.done $0x0  }
0x206: {  	v9 =	vor.u32 s4, v0;
	s15 =	sadd.s32 $0x10, s4;
	[sflag:s12] =	ssyncadd.s32 $0xFFFFF200  }
0x207: {  	s16 =	sadd.s32 $0x20, s4;
	[tilespmem:$0x1F170] =	vst v9;
	v9 =	vor.u32 s15, v0  }
0x208: {  	s29 =	sadd.s32 $0x30, s4;
	[tilespmem:$0x1F180] =	vst v9;
	v9 =	vor.u32 s16, v0  }
0x209: {  	s30 =	sadd.s32 $0x40, s4;
	[tilespmem:$0x1F190] =	vst v9;
	v9 =	vor.u32 s29, v0  }
0x20a: {  	s31 =	sadd.s32 $0x50, s4;
	v10 =	vor.u32 s30, v0;
	[tilespmem:$0x1F1A0] =	vst v9;
	v9 =	vmov s2  }
0x20b: {  	s4 =	sadd.s32 $0x60, s4;
	[tilespmem:$0x1F1B0] =	vst v10;
	v10 =	vor.u32 s31, v0  }
0x20c: {  	[tilespmem:$0x1F1C0] =	vst v10;
	v10 =	vor.u32 s4, v0  }
0x20d: {  	[tilespmem:$0x1F1D0] =	vst v10  }
0x20e: {  	s4 =	simm.s32 $0x0;
	v10 =	vld.msk [tilespmem:s0+$0x0 ss:$0x0], $0xffff  }
0x20f: {  	v11 =	vld.idx.msk [tilespmem:v9+s4+$0x0 ss:$0x1], $0xffff  }
0x210: {  	v12 =	vld.idx.msk [tilespmem:v9+s4+$0x10 ss:$0x1], $0xffff;
	_ =	sdelay $0x2  }
0x211: {  	v13 =	vld [tilespmem:s4+$0x1D580]  }
0x212: {  	v14 =	vld [tilespmem:s4+$0x1D570]  }
0x213: {  	v11 =	vmul.f32 v10, v11;
	v10 =	vmul.f32 v12, v10;
	_ =	sdelay $0x1  }
0x214: {  	v11 =	vsub.f32 $1.000000000e+00, v11;
	v10 =	vsub.f32 $1.000000000e+00, v10;
	_ =	sdelay $0x1  }
0x215: {  	s9 =	smov.u32 s0;
	s5 =	simm.s32 $0x80;
	v11 =	vmul.f32 v11, v14;
	v10 =	vmul.f32 v10, v13  }
.LBB2_30:
0x216: {  	p0 =	sne.s32 s5, $0x3780  }
0x217: {  	[tilespmem:s4+$0x1E370] =	vst v11;
	s9 =	sadd.s32 $0x1, s9;
	s6 =	smov.u32 s5;
	s5 =	sadd.s32 $0x80, s5  }
0x218: {  	[tilespmem:s4+$0x1E380] =	vst v10  }
0x219: {  	s4 =	sshra.s32 s6, $0x2;
	v10 =	vld.msk [tilespmem:s9+$0x0 ss:$0x0], $0xffff  }
0x21a: {  	v11 =	vld.idx.msk [tilespmem:v9+s4+$0x0 ss:$0x1], $0xffff  }
0x21b: {  	v12 =	vld.idx.msk [tilespmem:v9+s4+$0x10 ss:$0x1], $0xffff;
	_ =	sdelay $0x2  }
0x21c: {  	v13 =	vld [tilespmem:s4+$0x1D580]  }
0x21d: {  	v14 =	vld [tilespmem:s4+$0x1D570]  }
0x21e: {  	v11 =	vmul.f32 v10, v11  }
.Ltmp19:
0x21f: {  	v10 =	vmul.f32 v12, v10;
	(pc) =	sbr.rel @p0 .LBB2_30-.Ltmp19, $4  }
0x220: {  	v11 =	vsub.f32 $1.000000000e+00, v11  }
0x221: {  	v10 =	vsub.f32 $1.000000000e+00, v10  }
0x222: {  	v11 =	vmul.f32 v11, v14  }
0x223: {  	v10 =	vmul.f32 v10, v13  }
0x224: {  	s3 =	sadd.s32 $0x1, s3  }
0x225: {  	[tilespmem:s4+$0x1E370] =	vst v11;
	p0 =	sne.s32 s3, $0x1C  }
.Ltmp20:
0x226: {  	s31 =	simm.s32 $0x1F170;
	s5 =	simm.s32 $0x1E370;
	[tilespmem:s4+$0x1E380] =	vst v10;
	(pc) =	sbr.rel @p0 .LBB2_29-.Ltmp20, $4  }
0x227: {  	[hbm4b:s10+s14] =	stream.indirect.scatter [tilespmem:s5], [sflag:$0x4], $0x20, s31, s14, $0xb8;
	[tilespmem:$0x1F220] =	vst v63  }
0x228: {  	_ =	swait.ge [sflag:s12], $0xE00  }
0x229: {  	[sflag:s12] =	ssyncset.done $0x0  }
0x22a: {  	s0 =	sadd.s32 $0x70, s0;
	s2 =	sadd.s32 $0xE00, s2;
	[sflag:s12] =	ssyncadd.s32 $0xFFFFF200  }
0x22b: {  	s2 =	rddreg [dreg:$0x9]  }
0x22c: {  	s0 =	rddreg [dreg:$0x8];
	s2 =	sadd.s32 $0x1, s2  }
0x22d: {  	p0 =	sne.s32 s2, s0  }
.Ltmp21:
0x22e: {  	_ = 	snop;
	(pc) =	sbr.rel @p0 .LBB2_1-.Ltmp21, $1  }
0x22f: {  	_ =	sdelay $0x3  }
0x230: {  	_ =	sfence.sel $0x180000  }
0x231: {  	[bflag:$0x0] =	sbarrier.arrive $0xFFFF  }
0x232: {  	_ =	strace $0x90000047  }
0x233: {  	s0 =	stileid.u32;
	[bflag:$0x2] =	sbarrier.arrive $0xFFFF  }
0x234: {  	p0 =	sne.s32 s0, $0x0;
	s0 =	rddreg [dreg:$0x3]  }
0x235: {  	s0 =	sadd.s32 @!p0 $0x100000, s0  }
0x236: {  	[sflag:s0] =	ssyncadd.tile.s32 @!p0 $0x1;
	_ =	shalt  }
.Lfunc_end2:
_tile_overlayer_lowered:
.L_overlay_start_2:
0x237: {  	(tag) =	ssettag $0x2  }
0x238: {  	s0 =	rddreg [dreg:$0x0];
	s2 =	stileid.u32  }
0x239: {  	s1 =	rddreg [dreg:$0x1];
	p0 =	sne.s32 s2, $0x0  }
0x23a: {  	s3 =	rddreg [dreg:$0x2];
	[bflag:$0x3] =	sbarrier.arrive $0xFFFF;
	s2 =	simm.s32 @!p0 $0x1C04  }
0x23b: {  	[timem:s3], [sflag:s2] =	dma.local @!p0 [hbm:s0], s1  }
0x23c: {  	s0 =	simm.s32 @!p0 $0x4  }
0x23d: {  	_ =	swait.ge @!p0 [sflag:s0], s1  }
0x23e: {  	s1 =	ssub.s32 @!p0 $0x0, s1;
	[sflag:s0] =	ssyncset.done @!p0 $0x0  }
0x23f: {  	[sflag:s0] =	ssyncadd.s32 @!p0 s1  }
0x240: {  	[bflag:$0x3] =	sbarrier.arrive $0xFFFF  }
0x241: {  	_ =	shalt  }

</sc_bundles>
